<compile_context>
chip_gen: v7x
topology: tpu7x:2x2x1
jax: 0.10.2.dev20260603
libtpu: 0.0.44.dev20260713+nightly
codegen_flags: <defaults>
</compile_context>

<pallas_src>
import functools

import jax
import jax.numpy as jnp
from jax import lax
from jax.experimental import pallas as pl
from jax.experimental.pallas import tpu as pltpu
from jax.experimental.pallas import tpu_sc as plsc

E = 16
D = 768
I = 4 * 768
SH = 2 * 768
S = 2048
BT = 256
BTSH = 8
SPAD = S + E * BT
G = SPAD // BT
NC = 2
NS = 16
NT = NC * NS
TPW = S // NT
TPC = TPW // 2
WL = 128


@functools.cache
def _mesh():
    return plsc.VectorSubcoreMesh(core_axis_name="c", subcore_axis_name="s")


def _router_body(x_ref, gw_ref, w_ref, pos_ref, be_ref, act_ref):
    x = x_ref[...]
    logits = lax.dot_general(x, gw_ref[...], (((1,), (1,)), ((), ())),
                             preferred_element_type=jnp.float32)
    m = jnp.max(logits, axis=1, keepdims=True)
    w1 = 1.0 / jnp.sum(jnp.exp(logits - m), axis=1, keepdims=True)
    w_ref[...] = jnp.broadcast_to(w1, (S, WL))
    iota_e = lax.broadcasted_iota(jnp.int32, (S, E), 1)
    ids2 = jnp.min(jnp.where(logits == m, iota_e, jnp.int32(1 << 30)),
                   axis=1, keepdims=True)
    onehot = (iota_e == ids2).astype(jnp.int32)
    counts = jnp.sum(onehot, axis=0, keepdims=True)
    r = onehot
    sh = 1
    while sh < S:
        r = r + jnp.concatenate(
            [jnp.zeros((sh, E), jnp.int32), r[:S - sh]], axis=0)
        sh *= 2
    rank01 = r - onehot
    pad_tot = ((counts + (BT - 1)) >> BTSH) << BTSH
    c = pad_tot
    sh = 1
    while sh < E:
        c = c + jnp.concatenate(
            [jnp.zeros((1, sh), jnp.int32), c[:, :E - sh]], axis=1)
        sh *= 2
    csum = c
    pad_excl = csum - pad_tot
    pos_ref[...] = jnp.sum(onehot * (pad_excl + rank01), axis=1, keepdims=True)
    iota_g = lax.broadcasted_iota(jnp.int32, (G, E), 0)
    cnt = jnp.sum((iota_g * BT >= csum).astype(jnp.int32), axis=1, keepdims=True)
    iota_e2 = lax.broadcasted_iota(jnp.int32, (1, E), 1)
    mlast = jnp.max(jnp.where(counts > 0, iota_e2, 0), axis=1, keepdims=True)
    be_ref[...] = jnp.minimum(cnt, mlast)
    total_padded = csum[:, E - 1:E]
    iota_g1 = lax.broadcasted_iota(jnp.int32, (G, 1), 0)
    act_ref[...] = (iota_g1 * BT < total_padded).astype(jnp.int32)


def _router(x, gate_w):
    return pl.pallas_call(
        _router_body,
        out_shape=(jax.ShapeDtypeStruct((S, WL), jnp.float32),
                   jax.ShapeDtypeStruct((S, 1), jnp.int32),
                   jax.ShapeDtypeStruct((G, 1), jnp.int32),
                   jax.ShapeDtypeStruct((G, 1), jnp.int32)),
    )(x, gate_w)


@functools.cache
def _make_dispatch():
    return functools.partial(
        pl.kernel,
        out_type=(jax.ShapeDtypeStruct((SPAD, D), jnp.float32),
                  jax.ShapeDtypeStruct((SPAD, WL), jnp.float32)),
        mesh=_mesh(),
        scratch_types=[
            pltpu.VMEM((TPC,), jnp.int32),
            pltpu.VMEM((TPC,), jnp.int32),
            pltpu.VMEM((TPC, D), jnp.float32),
            pltpu.VMEM((TPC, D), jnp.float32),
            pltpu.VMEM((TPC, WL), jnp.float32),
            pltpu.VMEM((TPC, WL), jnp.float32),
            pltpu.SemaphoreType.DMA,
            pltpu.SemaphoreType.DMA,
            pltpu.SemaphoreType.DMA,
            pltpu.SemaphoreType.DMA,
            pltpu.SemaphoreType.DMA,
            pltpu.SemaphoreType.DMA,
        ],
    )(_dispatch_body)


def _dispatch_body(pos_hbm, x_hbm, w_hbm, xs_hbm, ws_hbm,
                   pos0, pos1, rows0, rows1, wrows0, wrows1,
                   smp0, smp1, smx0, smx1, smw0, smw1):
    wid = lax.axis_index("s") * NC + lax.axis_index("c")
    base = wid * TPW
    ap0 = pltpu.async_copy(pos_hbm.at[pl.ds(base, TPC)], pos0, smp0)
    ap1 = pltpu.async_copy(pos_hbm.at[pl.ds(base + TPC, TPC)], pos1, smp1)
    ax0 = pltpu.async_copy(x_hbm.at[pl.ds(base, TPC)], rows0, smx0)
    ax1 = pltpu.async_copy(x_hbm.at[pl.ds(base + TPC, TPC)], rows1, smx1)
    aw0 = pltpu.async_copy(w_hbm.at[pl.ds(base, TPC)], wrows0, smw0)
    aw1 = pltpu.async_copy(w_hbm.at[pl.ds(base + TPC, TPC)], wrows1, smw1)
    ap0.wait()
    ax0.wait()
    s0 = pltpu.async_copy(rows0, xs_hbm.at[pos0], smx0)
    ap1.wait()
    ax1.wait()
    s1 = pltpu.async_copy(rows1, xs_hbm.at[pos1], smx1)
    aw0.wait()
    sw0 = pltpu.async_copy(wrows0, ws_hbm.at[pos0], smw0)
    aw1.wait()
    sw1 = pltpu.async_copy(wrows1, ws_hbm.at[pos1], smw1)
    s0.wait()
    s1.wait()
    sw0.wait()
    sw1.wait()


IBLK = I // 2
K = 2


def _mlp_body(be_ref, act_ref, x_ref, w_ref, wg_ref, wu_ref, wd_ref,
              sg_any, su_any, sd_any, o_ref,
              acc_ref, sgs, sus, sds, sem1, sem2, sem3):
    k = pl.program_id(0)
    gidx = pl.program_id(1)

    @pl.when((k == 0) & (gidx == 0))
    def _():
        pltpu.make_async_copy(sg_any, sgs, sem1).start()
        pltpu.make_async_copy(su_any, sus, sem2).start()
        pltpu.make_async_copy(sd_any, sds, sem3).start()

    @pl.when((k == 1) & (gidx == 0))
    def _():
        pltpu.make_async_copy(sg_any, sgs, sem1).wait()
        pltpu.make_async_copy(su_any, sus, sem2).wait()
        pltpu.make_async_copy(sd_any, sds, sem3).wait()

    @pl.when(act_ref[gidx] > 0)
    def _():
        x = x_ref[...]
        g = lax.dot_general(x, wg_ref[0], (((1,), (1,)), ((), ())),
                            preferred_element_type=jnp.float32)
        u = lax.dot_general(x, wu_ref[0], (((1,), (1,)), ((), ())),
                            preferred_element_type=jnp.float32)
        h = g * jax.nn.sigmoid(g) * u
        part = lax.dot_general(h, wd_ref[0], (((1,), (1,)), ((), ())),
                               preferred_element_type=jnp.float32)
        wcol = w_ref[:, :1]
        rows = pl.ds(pl.multiple_of(gidx * BT, BT), BT)

        @pl.when(k == 0)
        def _():
            acc_ref[rows, :] = (wcol * part).astype(jnp.bfloat16)

        @pl.when(k == 1)
        def _():
            sg = lax.dot_general(x, sgs[...], (((1,), (1,)), ((), ())),
                                 preferred_element_type=jnp.float32)
            su = lax.dot_general(x, sus[...], (((1,), (1,)), ((), ())),
                                 preferred_element_type=jnp.float32)
            hs = sg * jax.nn.sigmoid(sg) * su
            ysh = lax.dot_general(hs, sds[...], (((1,), (1,)), ((), ())),
                                  preferred_element_type=jnp.float32)
            o_ref[...] = (acc_ref[rows, :].astype(jnp.float32)
                          + wcol * part + ysh)


def _grouped_mlp(block_expert, block_act, xs, ws, Wg, Wu, Wd, Sg, Su, Sd):
    grid_spec = pltpu.PrefetchScalarGridSpec(
        num_scalar_prefetch=2,
        grid=(K, G),
        in_specs=[
            pl.BlockSpec((BT, D),
                         lambda k, g, be, act: (jnp.where(act[g] > 0, g, 0), 0)),
            pl.BlockSpec((BT, WL),
                         lambda k, g, be, act: (jnp.where(act[g] > 0, g, 0), 0)),
            pl.BlockSpec((1, IBLK, D), lambda k, g, be, act: (be[g], k, 0)),
            pl.BlockSpec((1, IBLK, D), lambda k, g, be, act: (be[g], k, 0)),
            pl.BlockSpec((1, D, IBLK), lambda k, g, be, act: (be[g], 0, k)),
            pl.BlockSpec(memory_space=pl.ANY),
            pl.BlockSpec(memory_space=pl.ANY),
            pl.BlockSpec(memory_space=pl.ANY),
        ],
        out_specs=pl.BlockSpec(
            (BT, D),
            lambda k, g, be, act: (
                jnp.where((k == 1) & (act[g] > 0), g, G), 0)),
        scratch_shapes=[
            pltpu.VMEM((SPAD, D), jnp.bfloat16),
            pltpu.VMEM((SH, D), jnp.float32),
            pltpu.VMEM((SH, D), jnp.float32),
            pltpu.VMEM((D, SH), jnp.float32),
            pltpu.SemaphoreType.DMA,
            pltpu.SemaphoreType.DMA,
            pltpu.SemaphoreType.DMA,
        ],
    )
    return pl.pallas_call(
        _mlp_body,
        grid_spec=grid_spec,
        out_shape=jax.ShapeDtypeStruct((SPAD + BT, D), jnp.float32),
        compiler_params=pltpu.CompilerParams(
            dimension_semantics=("arbitrary", "arbitrary"),
            vmem_limit_bytes=128 * 1024 * 1024,
        ),
    )(block_expert, block_act, xs, ws, Wg, Wu, Wd, Sg, Su, Sd)


@functools.cache
def _make_gather_back():
    return functools.partial(
        pl.kernel,
        out_type=jax.ShapeDtypeStruct((S, D), jnp.float32),
        mesh=_mesh(),
        scratch_types=[
            pltpu.VMEM((TPC,), jnp.int32),
            pltpu.VMEM((TPC,), jnp.int32),
            pltpu.VMEM((TPC, D), jnp.float32),
            pltpu.VMEM((TPC, D), jnp.float32),
            pltpu.SemaphoreType.DMA,
            pltpu.SemaphoreType.DMA,
            pltpu.SemaphoreType.DMA,
            pltpu.SemaphoreType.DMA,
        ],
    )(_gather_back_body)


def _gather_back_body(pos_hbm, os_hbm, out_hbm,
                      pos0, pos1, rows0, rows1, smp0, smp1, smr0, smr1):
    wid = lax.axis_index("s") * NC + lax.axis_index("c")
    base = wid * TPW
    ap0 = pltpu.async_copy(pos_hbm.at[pl.ds(base, TPC)], pos0, smp0)
    ap1 = pltpu.async_copy(pos_hbm.at[pl.ds(base + TPC, TPC)], pos1, smp1)
    ap0.wait()
    g0 = pltpu.async_copy(os_hbm.at[pos0], rows0, smr0)
    ap1.wait()
    g1 = pltpu.async_copy(os_hbm.at[pos1], rows1, smr1)
    g0.wait()
    o0 = pltpu.async_copy(rows0, out_hbm.at[pl.ds(base, TPC)], smr0)
    g1.wait()
    o1 = pltpu.async_copy(rows1, out_hbm.at[pl.ds(base + TPC, TPC)], smr1)
    o0.wait()
    o1.wait()


def kernel(hidden_states, t, gate_w, Wg, Wu, Wd, Sg, Su, Sd):
    x = hidden_states.reshape(S, D)
    w2d, pos2d, be2d, act2d = _router(x, gate_w)
    pos = pos2d.reshape(S)
    xs, ws = _make_dispatch()(pos, x, w2d)
    os_ = _grouped_mlp(be2d.reshape(G), act2d.reshape(G), xs, ws,
                       Wg, Wu, Wd, Sg, Su, Sd)
    y = _make_gather_back()(pos, os_)
    return y.reshape(1, S, D)

# --- scband reference (transcript-rebuilt; emitter-appended) ---
"""Pipeline reference for scband-di-t-29274497090184 (READ-ONLY COPY).

The authoritative reference and input builder live on the scoring server;
editing this copy changes nothing except your own understanding.
"""

import jax, jax.numpy as jnp
import numpy as np

E = 16
TOPK = 1
D = 768
I = 4 * 768
SH = 2 * 768
B = 1
S = 2048


def _silu(x):
    return x * jax.nn.sigmoid(x)


def _mlp(x, wg, wu, wd):
    # MoeMLP: down_proj(silu(gate_proj(x)) * up_proj(x)); pretraining_tp slicing is
    # mathematically identical to the full matmuls.
    return (_silu(x @ wg.T) * (x @ wu.T)) @ wd.T


def setup_inputs(seed: int = 0) -> dict:
    key = jax.random.key(seed)
    ks = jax.random.split(key, 10)
    hidden_states = jax.random.normal(ks[0], (B, S, D), dtype=jnp.float32)
    t = jax.random.normal(ks[1], (B, D), dtype=jnp.float32)
    gate_w = jax.random.normal(ks[2], (E, D), dtype=jnp.float32) * 0.02
    Wg = jax.random.normal(ks[3], (E, I, D), dtype=jnp.float32) * 0.02
    Wu = jax.random.normal(ks[4], (E, I, D), dtype=jnp.float32) * 0.02
    Wd = jax.random.normal(ks[5], (E, D, I), dtype=jnp.float32) * 0.02
    Sg = jax.random.normal(ks[6], (SH, D), dtype=jnp.float32) * 0.02
    Su = jax.random.normal(ks[7], (SH, D), dtype=jnp.float32) * 0.02
    Sd = jax.random.normal(ks[8], (D, SH), dtype=jnp.float32) * 0.02
    return {"hidden_states": hidden_states, "t": t, "gate_w": gate_w,
            "Wg": Wg, "Wu": Wu, "Wd": Wd, "Sg": Sg, "Su": Su, "Sd": Sd}


def reference(hidden_states, t, gate_w, Wg, Wu, Wd, Sg, Su, Sd):
    # Inference path of SparseMoeBlock (eval mode: aux_loss=None, moe_infer).
    b, s, h = hidden_states.shape
    x = hidden_states.reshape(-1, h)
    logits = x @ gate_w.T
    scores = jax.nn.softmax(logits, axis=-1)
    topk_w, topk_idx = jax.lax.top_k(scores, TOPK)
    flat_idx = topk_idx.reshape(-1)
    flat_w = topk_w.reshape(-1, 1)
    y = jnp.zeros_like(x)
    for i in range(E):
        mask = (flat_idx == i)[:, None]
        expert_out = _mlp(x, Wg[i], Wu[i], Wd[i]) * jnp.where(mask, flat_w, 0.0)
        y = y + expert_out
    y = y.reshape(b, s, h)
    y = y + _mlp(hidden_states, Sg, Su, Sd)  # shared experts on identity
    return y

if __name__ == "__main__":
    import jax
    _d = setup_inputs()
    print(jax.jit(kernel)(*tuple(_d.values())))

</pallas_src>

<mosaic_0001>
#map = affine_map<(d0, d1) -> (0)>
#map1 = affine_map<(d0, d1) -> (0, 0)>
module attributes {stable_mosaic.version = 14 : i64} {
  func.func @_dispatch_body(%arg0: i32, %arg1: i32, %arg2: memref<2048xi32, #tpu.memory_space<hbm>>, %arg3: memref<2048x768xf32, #tpu.memory_space<hbm>>, %arg4: memref<2048x128xf32, #tpu.memory_space<hbm>>, %arg5: memref<6144x768xf32, #tpu.memory_space<hbm>>, %arg6: memref<6144x128xf32, #tpu.memory_space<hbm>>, %arg7: memref<32xi32, #tpu.memory_space<vmem>>, %arg8: memref<32xi32, #tpu.memory_space<vmem>>, %arg9: memref<32x768xf32, #tpu.memory_space<vmem>>, %arg10: memref<32x768xf32, #tpu.memory_space<vmem>>, %arg11: memref<32x128xf32, #tpu.memory_space<vmem>>, %arg12: memref<32x128xf32, #tpu.memory_space<vmem>>, %arg13: memref<!tpu.dma_semaphore, #tpu.memory_space<semaphore_mem>>, %arg14: memref<!tpu.dma_semaphore, #tpu.memory_space<semaphore_mem>>, %arg15: memref<!tpu.dma_semaphore, #tpu.memory_space<semaphore_mem>>, %arg16: memref<!tpu.dma_semaphore, #tpu.memory_space<semaphore_mem>>, %arg17: memref<!tpu.dma_semaphore, #tpu.memory_space<semaphore_mem>>, %arg18: memref<!tpu.dma_semaphore, #tpu.memory_space<semaphore_mem>>) attributes {dimension_semantics = [#tpu.dimension_semantics<core_parallel>, #tpu.dimension_semantics<subcore_parallel>], iteration_bounds = array<i64: 2, 16>, scalar_prefetch = 0 : i64, scratch_operands = 12 : i64, tpu.core_type = #tpu.core_type<sc_vector_subcore>, window_params = [{transform_indices = #map}, {transform_indices = #map1}, {transform_indices = #map1}, {transform_indices = #map1}, {transform_indices = #map1}]} {
    %mul3A = arith.constant 2 : i32
    %mul3A_0 = arith.muli %arg1, %mul3A : i32
    %add3A = arith.addi %mul3A_0, %arg0 : i32
    %mul3A_1 = arith.constant 64 : i32
    %mul3A_2 = arith.muli %add3A, %mul3A_1 : i32
    %dma_start3A = tpu.memref_slice %arg2[%mul3A_2] : memref<2048xi32, #tpu.memory_space<hbm>> -> memref<32xi32, #tpu.memory_space<hbm>>
    %dma_start3A_3 = tpu.memref_slice %arg2[%mul3A_2] : memref<2048xi32, #tpu.memory_space<hbm>> -> memref<32xi32, #tpu.memory_space<hbm>>
    tpu.enqueue_dma source(%dma_start3A_3 : memref<32xi32, #tpu.memory_space<hbm>>) target(%arg7 : memref<32xi32, #tpu.memory_space<vmem>>) target_semaphore(%arg13 : memref<!tpu.dma_semaphore, #tpu.memory_space<semaphore_mem>>)
    %add3A_4 = arith.constant 32 : i32
    %add3A_5 = arith.addi %mul3A_2, %add3A_4 : i32
    %dma_start3A_6 = tpu.memref_slice %arg2[%add3A_5] : memref<2048xi32, #tpu.memory_space<hbm>> -> memref<32xi32, #tpu.memory_space<hbm>>
    %dma_start3A_7 = tpu.memref_slice %arg2[%add3A_5] : memref<2048xi32, #tpu.memory_space<hbm>> -> memref<32xi32, #tpu.memory_space<hbm>>
    tpu.enqueue_dma source(%dma_start3A_7 : memref<32xi32, #tpu.memory_space<hbm>>) target(%arg8 : memref<32xi32, #tpu.memory_space<vmem>>) target_semaphore(%arg14 : memref<!tpu.dma_semaphore, #tpu.memory_space<semaphore_mem>>)
    %dma_start3A_8 = arith.constant 0 : i32
    %dma_start3A_9 = tpu.memref_slice %arg3[%mul3A_2, %dma_start3A_8] : memref<2048x768xf32, #tpu.memory_space<hbm>> -> memref<32x768xf32, #tpu.memory_space<hbm>>
    %dma_start3A_10 = arith.constant 0 : i32
    %dma_start3A_11 = tpu.memref_slice %arg3[%mul3A_2, %dma_start3A_10] : memref<2048x768xf32, #tpu.memory_space<hbm>> -> memref<32x768xf32, #tpu.memory_space<hbm>>
    tpu.enqueue_dma source(%dma_start3A_11 : memref<32x768xf32, #tpu.memory_space<hbm>>) target(%arg9 : memref<32x768xf32, #tpu.memory_space<vmem>>) target_semaphore(%arg15 : memref<!tpu.dma_semaphore, #tpu.memory_space<semaphore_mem>>)
    %add3A_12 = arith.constant 32 : i32
    %add3A_13 = arith.addi %mul3A_2, %add3A_12 : i32
    %dma_start3A_14 = arith.constant 0 : i32
    %dma_start3A_15 = tpu.memref_slice %arg3[%add3A_13, %dma_start3A_14] : memref<2048x768xf32, #tpu.memory_space<hbm>> -> memref<32x768xf32, #tpu.memory_space<hbm>>
    %dma_start3A_16 = arith.constant 0 : i32
    %dma_start3A_17 = tpu.memref_slice %arg3[%add3A_13, %dma_start3A_16] : memref<2048x768xf32, #tpu.memory_space<hbm>> -> memref<32x768xf32, #tpu.memory_space<hbm>>
    tpu.enqueue_dma source(%dma_start3A_17 : memref<32x768xf32, #tpu.memory_space<hbm>>) target(%arg10 : memref<32x768xf32, #tpu.memory_space<vmem>>) target_semaphore(%arg16 : memref<!tpu.dma_semaphore, #tpu.memory_space<semaphore_mem>>)
    %dma_start3A_18 = arith.constant 0 : i32
    %dma_start3A_19 = tpu.memref_slice %arg4[%mul3A_2, %dma_start3A_18] : memref<2048x128xf32, #tpu.memory_space<hbm>> -> memref<32x128xf32, #tpu.memory_space<hbm>>
    %dma_start3A_20 = arith.constant 0 : i32
    %dma_start3A_21 = tpu.memref_slice %arg4[%mul3A_2, %dma_start3A_20] : memref<2048x128xf32, #tpu.memory_space<hbm>> -> memref<32x128xf32, #tpu.memory_space<hbm>>
    tpu.enqueue_dma source(%dma_start3A_21 : memref<32x128xf32, #tpu.memory_space<hbm>>) target(%arg11 : memref<32x128xf32, #tpu.memory_space<vmem>>) target_semaphore(%arg17 : memref<!tpu.dma_semaphore, #tpu.memory_space<semaphore_mem>>)
    %add3A_22 = arith.constant 32 : i32
    %add3A_23 = arith.addi %mul3A_2, %add3A_22 : i32
    %dma_start3A_24 = arith.constant 0 : i32
    %dma_start3A_25 = tpu.memref_slice %arg4[%add3A_23, %dma_start3A_24] : memref<2048x128xf32, #tpu.memory_space<hbm>> -> memref<32x128xf32, #tpu.memory_space<hbm>>
    %dma_start3A_26 = arith.constant 0 : i32
    %dma_start3A_27 = tpu.memref_slice %arg4[%add3A_23, %dma_start3A_26] : memref<2048x128xf32, #tpu.memory_space<hbm>> -> memref<32x128xf32, #tpu.memory_space<hbm>>
    tpu.enqueue_dma source(%dma_start3A_27 : memref<32x128xf32, #tpu.memory_space<hbm>>) target(%arg12 : memref<32x128xf32, #tpu.memory_space<vmem>>) target_semaphore(%arg18 : memref<!tpu.dma_semaphore, #tpu.memory_space<semaphore_mem>>)
    %dma_wait3A = tpu.memref_slice %arg2[%mul3A_2] : memref<2048xi32, #tpu.memory_space<hbm>> -> memref<32xi32, #tpu.memory_space<hbm>>
    %dma_wait3A_28 = tpu.memref_slice %arg2[%mul3A_2] : memref<2048xi32, #tpu.memory_space<hbm>> -> memref<32xi32, #tpu.memory_space<hbm>>
    tpu.wait_dma2 semaphore(%arg13 : memref<!tpu.dma_semaphore, #tpu.memory_space<semaphore_mem>>) src(%dma_wait3A_28 : memref<32xi32, #tpu.memory_space<hbm>>) dst(%arg7 : memref<32xi32, #tpu.memory_space<vmem>>)
    %dma_wait3A_29 = arith.constant 0 : i32
    %dma_wait3A_30 = tpu.memref_slice %arg3[%mul3A_2, %dma_wait3A_29] : memref<2048x768xf32, #tpu.memory_space<hbm>> -> memref<32x768xf32, #tpu.memory_space<hbm>>
    %dma_wait3A_31 = arith.constant 0 : i32
    %dma_wait3A_32 = tpu.memref_slice %arg3[%mul3A_2, %dma_wait3A_31] : memref<2048x768xf32, #tpu.memory_space<hbm>> -> memref<32x768xf32, #tpu.memory_space<hbm>>
    tpu.wait_dma2 semaphore(%arg15 : memref<!tpu.dma_semaphore, #tpu.memory_space<semaphore_mem>>) src(%dma_wait3A_32 : memref<32x768xf32, #tpu.memory_space<hbm>>) dst(%arg9 : memref<32x768xf32, #tpu.memory_space<vmem>>)
    %dma_start3A_33 = arith.constant 0 : i32
    %dma_start3A_34 = arith.constant 0 : i32
    %dma_start3A_35 = tpu.memref_slice %arg5[%dma_start3A_33, %dma_start3A_34] : memref<6144x768xf32, #tpu.memory_space<hbm>> -> memref<6144x768xf32, #tpu.memory_space<hbm>>
    tpu.enqueue_indirect_dma source(%arg9 : memref<32x768xf32, #tpu.memory_space<vmem>>) target(%dma_start3A_35 : memref<6144x768xf32, #tpu.memory_space<hbm>>) offsets(%arg7 : memref<32xi32, #tpu.memory_space<vmem>>) semaphore(%arg15 : memref<!tpu.dma_semaphore, #tpu.memory_space<semaphore_mem>>)
    %dma_wait3A_36 = tpu.memref_slice %arg2[%add3A_5] : memref<2048xi32, #tpu.memory_space<hbm>> -> memref<32xi32, #tpu.memory_space<hbm>>
    %dma_wait3A_37 = tpu.memref_slice %arg2[%add3A_5] : memref<2048xi32, #tpu.memory_space<hbm>> -> memref<32xi32, #tpu.memory_space<hbm>>
    tpu.wait_dma2 semaphore(%arg14 : memref<!tpu.dma_semaphore, #tpu.memory_space<semaphore_mem>>) src(%dma_wait3A_37 : memref<32xi32, #tpu.memory_space<hbm>>) dst(%arg8 : memref<32xi32, #tpu.memory_space<vmem>>)
    %dma_wait3A_38 = arith.constant 0 : i32
    %dma_wait3A_39 = tpu.memref_slice %arg3[%add3A_13, %dma_wait3A_38] : memref<2048x768xf32, #tpu.memory_space<hbm>> -> memref<32x768xf32, #tpu.memory_space<hbm>>
    %dma_wait3A_40 = arith.constant 0 : i32
    %dma_wait3A_41 = tpu.memref_slice %arg3[%add3A_13, %dma_wait3A_40] : memref<2048x768xf32, #tpu.memory_space<hbm>> -> memref<32x768xf32, #tpu.memory_space<hbm>>
    tpu.wait_dma2 semaphore(%arg16 : memref<!tpu.dma_semaphore, #tpu.memory_space<semaphore_mem>>) src(%dma_wait3A_41 : memref<32x768xf32, #tpu.memory_space<hbm>>) dst(%arg10 : memref<32x768xf32, #tpu.memory_space<vmem>>)
    %dma_start3A_42 = arith.constant 0 : i32
    %dma_start3A_43 = arith.constant 0 : i32
    %dma_start3A_44 = tpu.memref_slice %arg5[%dma_start3A_42, %dma_start3A_43] : memref<6144x768xf32, #tpu.memory_space<hbm>> -> memref<6144x768xf32, #tpu.memory_space<hbm>>
    tpu.enqueue_indirect_dma source(%arg10 : memref<32x768xf32, #tpu.memory_space<vmem>>) target(%dma_start3A_44 : memref<6144x768xf32, #tpu.memory_space<hbm>>) offsets(%arg8 : memref<32xi32, #tpu.memory_space<vmem>>) semaphore(%arg16 : memref<!tpu.dma_semaphore, #tpu.memory_space<semaphore_mem>>)
    %dma_wait3A_45 = arith.constant 0 : i32
    %dma_wait3A_46 = tpu.memref_slice %arg4[%mul3A_2, %dma_wait3A_45] : memref<2048x128xf32, #tpu.memory_space<hbm>> -> memref<32x128xf32, #tpu.memory_space<hbm>>
    %dma_wait3A_47 = arith.constant 0 : i32
    %dma_wait3A_48 = tpu.memref_slice %arg4[%mul3A_2, %dma_wait3A_47] : memref<2048x128xf32, #tpu.memory_space<hbm>> -> memref<32x128xf32, #tpu.memory_space<hbm>>
    tpu.wait_dma2 semaphore(%arg17 : memref<!tpu.dma_semaphore, #tpu.memory_space<semaphore_mem>>) src(%dma_wait3A_48 : memref<32x128xf32, #tpu.memory_space<hbm>>) dst(%arg11 : memref<32x128xf32, #tpu.memory_space<vmem>>)
    %dma_start3A_49 = arith.constant 0 : i32
    %dma_start3A_50 = arith.constant 0 : i32
    %dma_start3A_51 = tpu.memref_slice %arg6[%dma_start3A_49, %dma_start3A_50] : memref<6144x128xf32, #tpu.memory_space<hbm>> -> memref<6144x128xf32, #tpu.memory_space<hbm>>
    tpu.enqueue_indirect_dma source(%arg11 : memref<32x128xf32, #tpu.memory_space<vmem>>) target(%dma_start3A_51 : memref<6144x128xf32, #tpu.memory_space<hbm>>) offsets(%arg7 : memref<32xi32, #tpu.memory_space<vmem>>) semaphore(%arg17 : memref<!tpu.dma_semaphore, #tpu.memory_space<semaphore_mem>>)
    %dma_wait3A_52 = arith.constant 0 : i32
    %dma_wait3A_53 = tpu.memref_slice %arg4[%add3A_23, %dma_wait3A_52] : memref<2048x128xf32, #tpu.memory_space<hbm>> -> memref<32x128xf32, #tpu.memory_space<hbm>>
    %dma_wait3A_54 = arith.constant 0 : i32
    %dma_wait3A_55 = tpu.memref_slice %arg4[%add3A_23, %dma_wait3A_54] : memref<2048x128xf32, #tpu.memory_space<hbm>> -> memref<32x128xf32, #tpu.memory_space<hbm>>
    tpu.wait_dma2 semaphore(%arg18 : memref<!tpu.dma_semaphore, #tpu.memory_space<semaphore_mem>>) src(%dma_wait3A_55 : memref<32x128xf32, #tpu.memory_space<hbm>>) dst(%arg12 : memref<32x128xf32, #tpu.memory_space<vmem>>)
    %dma_start3A_56 = arith.constant 0 : i32
    %dma_start3A_57 = arith.constant 0 : i32
    %dma_start3A_58 = tpu.memref_slice %arg6[%dma_start3A_56, %dma_start3A_57] : memref<6144x128xf32, #tpu.memory_space<hbm>> -> memref<6144x128xf32, #tpu.memory_space<hbm>>
    tpu.enqueue_indirect_dma source(%arg12 : memref<32x128xf32, #tpu.memory_space<vmem>>) target(%dma_start3A_58 : memref<6144x128xf32, #tpu.memory_space<hbm>>) offsets(%arg8 : memref<32xi32, #tpu.memory_space<vmem>>) semaphore(%arg18 : memref<!tpu.dma_semaphore, #tpu.memory_space<semaphore_mem>>)
    %dma_wait3A_59 = arith.constant 0 : i32
    %dma_wait3A_60 = arith.constant 0 : i32
    %dma_wait3A_61 = tpu.memref_slice %arg5[%dma_wait3A_59, %dma_wait3A_60] : memref<6144x768xf32, #tpu.memory_space<hbm>> -> memref<6144x768xf32, #tpu.memory_space<hbm>>
    tpu.wait_indirect_dma semaphore(%arg15 : memref<!tpu.dma_semaphore, #tpu.memory_space<semaphore_mem>>) src(%arg9 : memref<32x768xf32, #tpu.memory_space<vmem>>) dst(%dma_wait3A_61 : memref<6144x768xf32, #tpu.memory_space<hbm>>)
    %dma_wait3A_62 = arith.constant 0 : i32
    %dma_wait3A_63 = arith.constant 0 : i32
    %dma_wait3A_64 = tpu.memref_slice %arg5[%dma_wait3A_62, %dma_wait3A_63] : memref<6144x768xf32, #tpu.memory_space<hbm>> -> memref<6144x768xf32, #tpu.memory_space<hbm>>
    tpu.wait_indirect_dma semaphore(%arg16 : memref<!tpu.dma_semaphore, #tpu.memory_space<semaphore_mem>>) src(%arg10 : memref<32x768xf32, #tpu.memory_space<vmem>>) dst(%dma_wait3A_64 : memref<6144x768xf32, #tpu.memory_space<hbm>>)
    %dma_wait3A_65 = arith.constant 0 : i32
    %dma_wait3A_66 = arith.constant 0 : i32
    %dma_wait3A_67 = tpu.memref_slice %arg6[%dma_wait3A_65, %dma_wait3A_66] : memref<6144x128xf32, #tpu.memory_space<hbm>> -> memref<6144x128xf32, #tpu.memory_space<hbm>>
    tpu.wait_indirect_dma semaphore(%arg17 : memref<!tpu.dma_semaphore, #tpu.memory_space<semaphore_mem>>) src(%arg11 : memref<32x128xf32, #tpu.memory_space<vmem>>) dst(%dma_wait3A_67 : memref<6144x128xf32, #tpu.memory_space<hbm>>)
    %dma_wait3A_68 = arith.constant 0 : i32
    %dma_wait3A_69 = arith.constant 0 : i32
    %dma_wait3A_70 = tpu.memref_slice %arg6[%dma_wait3A_68, %dma_wait3A_69] : memref<6144x128xf32, #tpu.memory_space<hbm>> -> memref<6144x128xf32, #tpu.memory_space<hbm>>
    tpu.wait_indirect_dma semaphore(%arg18 : memref<!tpu.dma_semaphore, #tpu.memory_space<semaphore_mem>>) src(%arg12 : memref<32x128xf32, #tpu.memory_space<vmem>>) dst(%dma_wait3A_70 : memref<6144x128xf32, #tpu.memory_space<hbm>>)
    return
  }
}

#map = affine_map<(d0, d1) -> (0)>
#map1 = affine_map<(d0, d1) -> (0, 0)>
module attributes {stable_mosaic.version = 14 : i64} {
  func.func @_gather_back_body(%arg0: i32, %arg1: i32, %arg2: memref<2048xi32, #tpu.memory_space<hbm>>, %arg3: memref<6400x768xf32, #tpu.memory_space<hbm>>, %arg4: memref<2048x768xf32, #tpu.memory_space<hbm>>, %arg5: memref<32xi32, #tpu.memory_space<vmem>>, %arg6: memref<32xi32, #tpu.memory_space<vmem>>, %arg7: memref<32x768xf32, #tpu.memory_space<vmem>>, %arg8: memref<32x768xf32, #tpu.memory_space<vmem>>, %arg9: memref<!tpu.dma_semaphore, #tpu.memory_space<semaphore_mem>>, %arg10: memref<!tpu.dma_semaphore, #tpu.memory_space<semaphore_mem>>, %arg11: memref<!tpu.dma_semaphore, #tpu.memory_space<semaphore_mem>>, %arg12: memref<!tpu.dma_semaphore, #tpu.memory_space<semaphore_mem>>) attributes {dimension_semantics = [#tpu.dimension_semantics<core_parallel>, #tpu.dimension_semantics<subcore_parallel>], iteration_bounds = array<i64: 2, 16>, scalar_prefetch = 0 : i64, scratch_operands = 8 : i64, tpu.core_type = #tpu.core_type<sc_vector_subcore>, window_params = [{transform_indices = #map}, {transform_indices = #map1}, {transform_indices = #map1}]} {
    %mul3A = arith.constant 2 : i32
    %mul3A_0 = arith.muli %arg1, %mul3A : i32
    %add3A = arith.addi %mul3A_0, %arg0 : i32
    %mul3A_1 = arith.constant 64 : i32
    %mul3A_2 = arith.muli %add3A, %mul3A_1 : i32
    %dma_start3A = tpu.memref_slice %arg2[%mul3A_2] : memref<2048xi32, #tpu.memory_space<hbm>> -> memref<32xi32, #tpu.memory_space<hbm>>
    %dma_start3A_3 = tpu.memref_slice %arg2[%mul3A_2] : memref<2048xi32, #tpu.memory_space<hbm>> -> memref<32xi32, #tpu.memory_space<hbm>>
    tpu.enqueue_dma source(%dma_start3A_3 : memref<32xi32, #tpu.memory_space<hbm>>) target(%arg5 : memref<32xi32, #tpu.memory_space<vmem>>) target_semaphore(%arg9 : memref<!tpu.dma_semaphore, #tpu.memory_space<semaphore_mem>>)
    %add3A_4 = arith.constant 32 : i32
    %add3A_5 = arith.addi %mul3A_2, %add3A_4 : i32
    %dma_start3A_6 = tpu.memref_slice %arg2[%add3A_5] : memref<2048xi32, #tpu.memory_space<hbm>> -> memref<32xi32, #tpu.memory_space<hbm>>
    %dma_start3A_7 = tpu.memref_slice %arg2[%add3A_5] : memref<2048xi32, #tpu.memory_space<hbm>> -> memref<32xi32, #tpu.memory_space<hbm>>
    tpu.enqueue_dma source(%dma_start3A_7 : memref<32xi32, #tpu.memory_space<hbm>>) target(%arg6 : memref<32xi32, #tpu.memory_space<vmem>>) target_semaphore(%arg10 : memref<!tpu.dma_semaphore, #tpu.memory_space<semaphore_mem>>)
    %dma_wait3A = tpu.memref_slice %arg2[%mul3A_2] : memref<2048xi32, #tpu.memory_space<hbm>> -> memref<32xi32, #tpu.memory_space<hbm>>
    %dma_wait3A_8 = tpu.memref_slice %arg2[%mul3A_2] : memref<2048xi32, #tpu.memory_space<hbm>> -> memref<32xi32, #tpu.memory_space<hbm>>
    tpu.wait_dma2 semaphore(%arg9 : memref<!tpu.dma_semaphore, #tpu.memory_space<semaphore_mem>>) src(%dma_wait3A_8 : memref<32xi32, #tpu.memory_space<hbm>>) dst(%arg5 : memref<32xi32, #tpu.memory_space<vmem>>)
    %dma_start3A_9 = arith.constant 0 : i32
    %dma_start3A_10 = arith.constant 0 : i32
    %dma_start3A_11 = tpu.memref_slice %arg3[%dma_start3A_9, %dma_start3A_10] : memref<6400x768xf32, #tpu.memory_space<hbm>> -> memref<6400x768xf32, #tpu.memory_space<hbm>>
    tpu.enqueue_indirect_dma source(%dma_start3A_11 : memref<6400x768xf32, #tpu.memory_space<hbm>>) target(%arg7 : memref<32x768xf32, #tpu.memory_space<vmem>>) offsets(%arg5 : memref<32xi32, #tpu.memory_space<vmem>>) semaphore(%arg11 : memref<!tpu.dma_semaphore, #tpu.memory_space<semaphore_mem>>)
    %dma_wait3A_12 = tpu.memref_slice %arg2[%add3A_5] : memref<2048xi32, #tpu.memory_space<hbm>> -> memref<32xi32, #tpu.memory_space<hbm>>
    %dma_wait3A_13 = tpu.memref_slice %arg2[%add3A_5] : memref<2048xi32, #tpu.memory_space<hbm>> -> memref<32xi32, #tpu.memory_space<hbm>>
    tpu.wait_dma2 semaphore(%arg10 : memref<!tpu.dma_semaphore, #tpu.memory_space<semaphore_mem>>) src(%dma_wait3A_13 : memref<32xi32, #tpu.memory_space<hbm>>) dst(%arg6 : memref<32xi32, #tpu.memory_space<vmem>>)
    %dma_start3A_14 = arith.constant 0 : i32
    %dma_start3A_15 = arith.constant 0 : i32
    %dma_start3A_16 = tpu.memref_slice %arg3[%dma_start3A_14, %dma_start3A_15] : memref<6400x768xf32, #tpu.memory_space<hbm>> -> memref<6400x768xf32, #tpu.memory_space<hbm>>
    tpu.enqueue_indirect_dma source(%dma_start3A_16 : memref<6400x768xf32, #tpu.memory_space<hbm>>) target(%arg8 : memref<32x768xf32, #tpu.memory_space<vmem>>) offsets(%arg6 : memref<32xi32, #tpu.memory_space<vmem>>) semaphore(%arg12 : memref<!tpu.dma_semaphore, #tpu.memory_space<semaphore_mem>>)
    %dma_wait3A_17 = arith.constant 0 : i32
    %dma_wait3A_18 = arith.constant 0 : i32
    %dma_wait3A_19 = tpu.memref_slice %arg3[%dma_wait3A_17, %dma_wait3A_18] : memref<6400x768xf32, #tpu.memory_space<hbm>> -> memref<6400x768xf32, #tpu.memory_space<hbm>>
    tpu.wait_indirect_dma semaphore(%arg11 : memref<!tpu.dma_semaphore, #tpu.memory_space<semaphore_mem>>) src(%dma_wait3A_19 : memref<6400x768xf32, #tpu.memory_space<hbm>>) dst(%arg7 : memref<32x768xf32, #tpu.memory_space<vmem>>)
    %dma_start3A_20 = arith.constant 0 : i32
    %dma_start3A_21 = tpu.memref_slice %arg4[%mul3A_2, %dma_start3A_20] : memref<2048x768xf32, #tpu.memory_space<hbm>> -> memref<32x768xf32, #tpu.memory_space<hbm>>
    %dma_start3A_22 = arith.constant 0 : i32
    %dma_start3A_23 = tpu.memref_slice %arg4[%mul3A_2, %dma_start3A_22] : memref<2048x768xf32, #tpu.memory_space<hbm>> -> memref<32x768xf32, #tpu.memory_space<hbm>>
    tpu.enqueue_dma source(%arg7 : memref<32x768xf32, #tpu.memory_space<vmem>>) target(%dma_start3A_23 : memref<32x768xf32, #tpu.memory_space<hbm>>) target_semaphore(%arg11 : memref<!tpu.dma_semaphore, #tpu.memory_space<semaphore_mem>>)
    %dma_wait3A_24 = arith.constant 0 : i32
    %dma_wait3A_25 = arith.constant 0 : i32
    %dma_wait3A_26 = tpu.memref_slice %arg3[%dma_wait3A_24, %dma_wait3A_25] : memref<6400x768xf32, #tpu.memory_space<hbm>> -> memref<6400x768xf32, #tpu.memory_space<hbm>>
    tpu.wait_indirect_dma semaphore(%arg12 : memref<!tpu.dma_semaphore, #tpu.memory_space<semaphore_mem>>) src(%dma_wait3A_26 : memref<6400x768xf32, #tpu.memory_space<hbm>>) dst(%arg8 : memref<32x768xf32, #tpu.memory_space<vmem>>)
    %add3A_27 = arith.constant 32 : i32
    %add3A_28 = arith.addi %mul3A_2, %add3A_27 : i32
    %dma_start3A_29 = arith.constant 0 : i32
    %dma_start3A_30 = tpu.memref_slice %arg4[%add3A_28, %dma_start3A_29] : memref<2048x768xf32, #tpu.memory_space<hbm>> -> memref<32x768xf32, #tpu.memory_space<hbm>>
    %dma_start3A_31 = arith.constant 0 : i32
    %dma_start3A_32 = tpu.memref_slice %arg4[%add3A_28, %dma_start3A_31] : memref<2048x768xf32, #tpu.memory_space<hbm>> -> memref<32x768xf32, #tpu.memory_space<hbm>>
    tpu.enqueue_dma source(%arg8 : memref<32x768xf32, #tpu.memory_space<vmem>>) target(%dma_start3A_32 : memref<32x768xf32, #tpu.memory_space<hbm>>) target_semaphore(%arg12 : memref<!tpu.dma_semaphore, #tpu.memory_space<semaphore_mem>>)
    %dma_wait3A_33 = arith.constant 0 : i32
    %dma_wait3A_34 = tpu.memref_slice %arg4[%mul3A_2, %dma_wait3A_33] : memref<2048x768xf32, #tpu.memory_space<hbm>> -> memref<32x768xf32, #tpu.memory_space<hbm>>
    %dma_wait3A_35 = arith.constant 0 : i32
    %dma_wait3A_36 = tpu.memref_slice %arg4[%mul3A_2, %dma_wait3A_35] : memref<2048x768xf32, #tpu.memory_space<hbm>> -> memref<32x768xf32, #tpu.memory_space<hbm>>
    tpu.wait_dma2 semaphore(%arg11 : memref<!tpu.dma_semaphore, #tpu.memory_space<semaphore_mem>>) src(%arg7 : memref<32x768xf32, #tpu.memory_space<vmem>>) dst(%dma_wait3A_36 : memref<32x768xf32, #tpu.memory_space<hbm>>)
    %dma_wait3A_37 = arith.constant 0 : i32
    %dma_wait3A_38 = tpu.memref_slice %arg4[%add3A_28, %dma_wait3A_37] : memref<2048x768xf32, #tpu.memory_space<hbm>> -> memref<32x768xf32, #tpu.memory_space<hbm>>
    %dma_wait3A_39 = arith.constant 0 : i32
    %dma_wait3A_40 = tpu.memref_slice %arg4[%add3A_28, %dma_wait3A_39] : memref<2048x768xf32, #tpu.memory_space<hbm>> -> memref<32x768xf32, #tpu.memory_space<hbm>>
    tpu.wait_dma2 semaphore(%arg12 : memref<!tpu.dma_semaphore, #tpu.memory_space<semaphore_mem>>) src(%arg8 : memref<32x768xf32, #tpu.memory_space<vmem>>) dst(%dma_wait3A_40 : memref<32x768xf32, #tpu.memory_space<hbm>>)
    return
  }
}

module attributes {stable_mosaic.version = 14 : i64} {
  func.func @_mlp_body(%arg0: i32, %arg1: i32, %arg2: memref<24xi32, #tpu.memory_space<smem>>, %arg3: memref<24xi32, #tpu.memory_space<smem>>, %arg4: memref<256x768xf32, #tpu.memory_space<vmem>>, %arg5: memref<256x128xf32, #tpu.memory_space<vmem>>, %arg6: memref<1x1536x768xf32, #tpu.memory_space<vmem>>, %arg7: memref<1x1536x768xf32, #tpu.memory_space<vmem>>, %arg8: memref<1x768x1536xf32, #tpu.memory_space<vmem>>, %arg9: memref<1536x768xf32, #tpu.memory_space<any>>, %arg10: memref<1536x768xf32, #tpu.memory_space<any>>, %arg11: memref<768x1536xf32, #tpu.memory_space<any>>, %arg12: memref<256x768xf32, #tpu.memory_space<vmem>>, %arg13: memref<6144x768xbf16, #tpu.memory_space<vmem>>, %arg14: memref<1536x768xf32, #tpu.memory_space<vmem>>, %arg15: memref<1536x768xf32, #tpu.memory_space<vmem>>, %arg16: memref<768x1536xf32, #tpu.memory_space<vmem>>, %arg17: memref<!tpu.dma_semaphore, #tpu.memory_space<semaphore_mem>>, %arg18: memref<!tpu.dma_semaphore, #tpu.memory_space<semaphore_mem>>, %arg19: memref<!tpu.dma_semaphore, #tpu.memory_space<semaphore_mem>>) attributes {dimension_semantics = [#tpu.dimension_semantics<arbitrary>, #tpu.dimension_semantics<arbitrary>], iteration_bounds = array<i64: 2, 24>, scalar_prefetch = 2 : i64, scratch_operands = 7 : i64, tpu.core_type = #tpu.core_type<tc>, window_params = [{transform_indices = @transform_0, window_bounds = array<i64: 256, 768>}, {transform_indices = @transform_1, window_bounds = array<i64: 256, 128>}, {transform_indices = @transform_2, window_bounds = array<i64: 1, 1536, 768>}, {transform_indices = @transform_3, window_bounds = array<i64: 1, 1536, 768>}, {transform_indices = @transform_4, window_bounds = array<i64: 1, 768, 1536>}, {}, {}, {}, {transform_indices = @transform_8, window_bounds = array<i64: 256, 768>}]} {
    %eq3A = arith.constant 0 : i32
    %eq3A_0 = arith.cmpi eq, %arg0, %eq3A : i32
    %eq3A_1 = arith.constant 0 : i32
    %eq3A_2 = arith.cmpi eq, %arg1, %eq3A_1 : i32
    %and3A = arith.andi %eq3A_0, %eq3A_2 : i1
    %convert_element_type3A = arith.extui %and3A : i1 to i32
    %cond3A = arith.constant 0 : i32
    %cond3A_3 = arith.cmpi ne, %convert_element_type3A, %cond3A : i32
    scf.if %cond3A_3 {
      tpu.enqueue_dma source(%arg9 : memref<1536x768xf32, #tpu.memory_space<any>>) target(%arg14 : memref<1536x768xf32, #tpu.memory_space<vmem>>) target_semaphore(%arg17 : memref<!tpu.dma_semaphore, #tpu.memory_space<semaphore_mem>>)
      tpu.enqueue_dma source(%arg10 : memref<1536x768xf32, #tpu.memory_space<any>>) target(%arg15 : memref<1536x768xf32, #tpu.memory_space<vmem>>) target_semaphore(%arg18 : memref<!tpu.dma_semaphore, #tpu.memory_space<semaphore_mem>>)
      tpu.enqueue_dma source(%arg11 : memref<768x1536xf32, #tpu.memory_space<any>>) target(%arg16 : memref<768x1536xf32, #tpu.memory_space<vmem>>) target_semaphore(%arg19 : memref<!tpu.dma_semaphore, #tpu.memory_space<semaphore_mem>>)
    } else {
    }
    %eq3A_4 = arith.constant 1 : i32
    %eq3A_5 = arith.cmpi eq, %arg0, %eq3A_4 : i32
    %eq3A_6 = arith.constant 0 : i32
    %eq3A_7 = arith.cmpi eq, %arg1, %eq3A_6 : i32
    %and3A_8 = arith.andi %eq3A_5, %eq3A_7 : i1
    %convert_element_type3A_9 = arith.extui %and3A_8 : i1 to i32
    %cond3A_10 = arith.constant 0 : i32
    %cond3A_11 = arith.cmpi ne, %convert_element_type3A_9, %cond3A_10 : i32
    scf.if %cond3A_11 {
      tpu.wait_dma2 semaphore(%arg17 : memref<!tpu.dma_semaphore, #tpu.memory_space<semaphore_mem>>) src(%arg9 : memref<1536x768xf32, #tpu.memory_space<any>>) dst(%arg14 : memref<1536x768xf32, #tpu.memory_space<vmem>>)
      tpu.wait_dma2 semaphore(%arg18 : memref<!tpu.dma_semaphore, #tpu.memory_space<semaphore_mem>>) src(%arg10 : memref<1536x768xf32, #tpu.memory_space<any>>) dst(%arg15 : memref<1536x768xf32, #tpu.memory_space<vmem>>)
      tpu.wait_dma2 semaphore(%arg19 : memref<!tpu.dma_semaphore, #tpu.memory_space<semaphore_mem>>) src(%arg11 : memref<768x1536xf32, #tpu.memory_space<any>>) dst(%arg16 : memref<768x1536xf32, #tpu.memory_space<vmem>>)
    } else {
    }
    %get3A = arith.index_cast %arg1 : i32 to index
    %get3A_12 = memref.load %arg3[%get3A] : memref<24xi32, #tpu.memory_space<smem>>
    %gt3A = arith.constant 0 : i32
    %gt3A_13 = arith.cmpi sgt, %get3A_12, %gt3A : i32
    %convert_element_type3A_14 = arith.extui %gt3A_13 : i1 to i32
    %cond3A_15 = arith.constant 0 : i32
    %cond3A_16 = arith.cmpi ne, %convert_element_type3A_14, %cond3A_15 : i32
    scf.if %cond3A_16 {
      %get3A_17 = arith.constant 0 : index
      %get3A_18 = arith.constant 0 : index
      %get3A_19 = vector.load %arg4[%get3A_17, %get3A_18] : memref<256x768xf32, #tpu.memory_space<vmem>>, vector<256x768xf32>
      %get3A_20 = arith.constant 0 : index
      %get3A_21 = arith.constant 0 : index
      %get3A_22 = arith.constant 0 : index
      %get3A_23 = vector.load %arg6[%get3A_20, %get3A_21, %get3A_22] : memref<1x1536x768xf32, #tpu.memory_space<vmem>>, vector<1x1536x768xf32>
      %get3A_24 = vector.shape_cast %get3A_23 : vector<1x1536x768xf32> to vector<1536x768xf32>
      %dot_general3A = arith.constant dense<0.000000e+00> : vector<256x1536xf32>
      %dot_general3A_25 = tpu.matmul %get3A_19, %get3A_24, %dot_general3A {dimension_numbers = #tpu.dot_dimension_numbers<[1], [1], [0], [0], [0, 0, 1, 0], [], []>, transpose_lhs_hint = false} : vector<256x768xf32>, vector<1536x768xf32>, vector<256x1536xf32> -> vector<256x1536xf32>
      %get3A_26 = arith.constant 0 : index
      %get3A_27 = arith.constant 0 : index
      %get3A_28 = arith.constant 0 : index
      %get3A_29 = vector.load %arg7[%get3A_26, %get3A_27, %get3A_28] : memref<1x1536x768xf32, #tpu.memory_space<vmem>>, vector<1x1536x768xf32>
      %get3A_30 = vector.shape_cast %get3A_29 : vector<1x1536x768xf32> to vector<1536x768xf32>
      %dot_general3A_31 = arith.constant dense<0.000000e+00> : vector<256x1536xf32>
      %dot_general3A_32 = tpu.matmul %get3A_19, %get3A_30, %dot_general3A_31 {dimension_numbers = #tpu.dot_dimension_numbers<[1], [1], [0], [0], [0, 0, 1, 0], [], []>, transpose_lhs_hint = false} : vector<256x768xf32>, vector<1536x768xf32>, vector<256x1536xf32> -> vector<256x1536xf32>
      %logistic3A = arith.negf %dot_general3A_25 : vector<256x1536xf32>
      %logistic3A_33 = math.exp %logistic3A : vector<256x1536xf32>
      %logistic3A_34 = arith.constant 1.000000e+00 : f32
      %logistic3A_35 = vector.broadcast %logistic3A_34 : f32 to vector<256x1536xf32>
      %logistic3A_36 = arith.addf %logistic3A_35, %logistic3A_33 : vector<256x1536xf32>
      %logistic3A_37 = arith.divf %logistic3A_35, %logistic3A_36 : vector<256x1536xf32>
      %mul3A = arith.mulf %dot_general3A_25, %logistic3A_37 : vector<256x1536xf32>
      %mul3A_38 = arith.mulf %mul3A, %dot_general3A_32 : vector<256x1536xf32>
      %get3A_39 = arith.constant 0 : index
      %get3A_40 = arith.constant 0 : index
      %get3A_41 = arith.constant 0 : index
      %get3A_42 = vector.load %arg8[%get3A_39, %get3A_40, %get3A_41] : memref<1x768x1536xf32, #tpu.memory_space<vmem>>, vector<1x768x1536xf32>
      %get3A_43 = vector.shape_cast %get3A_42 : vector<1x768x1536xf32> to vector<768x1536xf32>
      %dot_general3A_44 = arith.constant dense<0.000000e+00> : vector<256x768xf32>
      %dot_general3A_45 = tpu.matmul %mul3A_38, %get3A_43, %dot_general3A_44 {dimension_numbers = #tpu.dot_dimension_numbers<[1], [1], [0], [0], [0, 0, 1, 0], [], []>, transpose_lhs_hint = false} : vector<256x1536xf32>, vector<768x1536xf32>, vector<256x768xf32> -> vector<256x768xf32>
      %get3A_46 = arith.constant 0 : index
      %get3A_47 = arith.constant 0 : index
      %get3A_48 = vector.load %arg5[%get3A_46, %get3A_47] : memref<256x128xf32, #tpu.memory_space<vmem>>, vector<256x1xf32>
      %mul3A_49 = arith.constant 256 : i32
      %mul3A_50 = arith.muli %arg1, %mul3A_49 : i32
      %multiple_of3A = tpu.assume_multiple %mul3A_50, 256 : i32
      %eq3A_51 = arith.constant 0 : i32
      %eq3A_52 = arith.cmpi eq, %arg0, %eq3A_51 : i32
      %convert_element_type3A_53 = arith.extui %eq3A_52 : i1 to i32
      %cond3A_54 = arith.constant 0 : i32
      %cond3A_55 = arith.cmpi ne, %convert_element_type3A_53, %cond3A_54 : i32
      scf.if %cond3A_55 {
        %mul3A_61 = vector.broadcast %get3A_48 : vector<256x1xf32> to vector<256x768xf32>
        %mul3A_62 = arith.mulf %mul3A_61, %dot_general3A_45 : vector<256x768xf32>
        %convert_element_type3A_63 = arith.truncf %mul3A_62 : vector<256x768xf32> to vector<256x768xbf16>
        %swap3A = arith.index_cast %multiple_of3A : i32 to index
        %swap3A_64 = arith.constant 0 : index
        %swap3A_65 = vector.load %arg13[%swap3A, %swap3A_64] : memref<6144x768xbf16, #tpu.memory_space<vmem>>, vector<256x768xbf16>
        tpu.vector_store %arg13[%swap3A, %swap3A_64], %convert_element_type3A_63 {strides = array<i32>} : memref<6144x768xbf16, #tpu.memory_space<vmem>>, vector<256x768xbf16>,
      } else {
      }
      %eq3A_56 = arith.constant 1 : i32
      %eq3A_57 = arith.cmpi eq, %arg0, %eq3A_56 : i32
      %convert_element_type3A_58 = arith.extui %eq3A_57 : i1 to i32
      %cond3A_59 = arith.constant 0 : i32
      %cond3A_60 = arith.cmpi ne, %convert_element_type3A_58, %cond3A_59 : i32
      scf.if %cond3A_60 {
        %get3A_61 = arith.constant 0 : index
        %get3A_62 = arith.constant 0 : index
        %get3A_63 = vector.load %arg14[%get3A_61, %get3A_62] : memref<1536x768xf32, #tpu.memory_space<vmem>>, vector<1536x768xf32>
        %dot_general3A_64 = arith.constant dense<0.000000e+00> : vector<256x1536xf32>
        %dot_general3A_65 = tpu.matmul %get3A_19, %get3A_63, %dot_general3A_64 {dimension_numbers = #tpu.dot_dimension_numbers<[1], [1], [0], [0], [0, 0, 1, 0], [], []>, transpose_lhs_hint = false} : vector<256x768xf32>, vector<1536x768xf32>, vector<256x1536xf32> -> vector<256x1536xf32>
        %get3A_66 = arith.constant 0 : index
        %get3A_67 = arith.constant 0 : index
        %get3A_68 = vector.load %arg15[%get3A_66, %get3A_67] : memref<1536x768xf32, #tpu.memory_space<vmem>>, vector<1536x768xf32>
        %dot_general3A_69 = arith.constant dense<0.000000e+00> : vector<256x1536xf32>
        %dot_general3A_70 = tpu.matmul %get3A_19, %get3A_68, %dot_general3A_69 {dimension_numbers = #tpu.dot_dimension_numbers<[1], [1], [0], [0], [0, 0, 1, 0], [], []>, transpose_lhs_hint = false} : vector<256x768xf32>, vector<1536x768xf32>, vector<256x1536xf32> -> vector<256x1536xf32>
        %logistic3A_71 = arith.negf %dot_general3A_65 : vector<256x1536xf32>
        %logistic3A_72 = math.exp %logistic3A_71 : vector<256x1536xf32>
        %logistic3A_73 = arith.constant 1.000000e+00 : f32
        %logistic3A_74 = vector.broadcast %logistic3A_73 : f32 to vector<256x1536xf32>
        %logistic3A_75 = arith.addf %logistic3A_74, %logistic3A_72 : vector<256x1536xf32>
        %logistic3A_76 = arith.divf %logistic3A_74, %logistic3A_75 : vector<256x1536xf32>
        %mul3A_77 = arith.mulf %dot_general3A_65, %logistic3A_76 : vector<256x1536xf32>
        %mul3A_78 = arith.mulf %mul3A_77, %dot_general3A_70 : vector<256x1536xf32>
        %get3A_79 = arith.constant 0 : index
        %get3A_80 = arith.constant 0 : index
        %get3A_81 = vector.load %arg16[%get3A_79, %get3A_80] : memref<768x1536xf32, #tpu.memory_space<vmem>>, vector<768x1536xf32>
        %dot_general3A_82 = arith.constant dense<0.000000e+00> : vector<256x768xf32>
        %dot_general3A_83 = tpu.matmul %mul3A_78, %get3A_81, %dot_general3A_82 {dimension_numbers = #tpu.dot_dimension_numbers<[1], [1], [0], [0], [0, 0, 1, 0], [], []>, transpose_lhs_hint = false} : vector<256x1536xf32>, vector<768x1536xf32>, vector<256x768xf32> -> vector<256x768xf32>
        %get3A_84 = arith.index_cast %multiple_of3A : i32 to index
        %get3A_85 = arith.constant 0 : index
        %get3A_86 = vector.load %arg13[%get3A_84, %get3A_85] : memref<6144x768xbf16, #tpu.memory_space<vmem>>, vector<256x768xbf16>
        %convert_element_type3A_87 = arith.extf %get3A_86 : vector<256x768xbf16> to vector<256x768xf32>
        %mul3A_88 = vector.broadcast %get3A_48 : vector<256x1xf32> to vector<256x768xf32>
        %mul3A_89 = arith.mulf %mul3A_88, %dot_general3A_45 : vector<256x768xf32>
        %add3A = arith.addf %convert_element_type3A_87, %mul3A_89 : vector<256x768xf32>
        %add3A_90 = arith.addf %add3A, %dot_general3A_83 : vector<256x768xf32>
        %swap3A = arith.constant 0 : index
        %swap3A_91 = arith.constant 0 : index
        %swap3A_92 = vector.load %arg12[%swap3A, %swap3A_91] : memref<256x768xf32, #tpu.memory_space<vmem>>, vector<256x768xf32>
        tpu.vector_store %arg12[%swap3A, %swap3A_91], %add3A_90 {strides = array<i32>} : memref<256x768xf32, #tpu.memory_space<vmem>>, vector<256x768xf32>,
      } else {
      }
    } else {
    }
    return
  }
  func.func @transform_0(%arg0: i32, %arg1: i32, %arg2: memref<24xi32, #tpu.memory_space<smem>>, %arg3: memref<24xi32, #tpu.memory_space<smem>>) -> (i32, i32) {
    %get3A = arith.index_cast %arg1 : i32 to index
    %get3A_0 = memref.load %arg3[%get3A] : memref<24xi32, #tpu.memory_space<smem>>
    %gt3A = arith.constant 0 : i32
    %gt3A_1 = arith.cmpi sgt, %get3A_0, %gt3A : i32
    %jit3A = arith.constant 0 : i32
    %select_n3A = arith.select %gt3A_1, %arg1, %jit3A : i32
    %c0_i32 = arith.constant 0 : i32
    %c0_i32_2 = arith.constant 0 : i32
    return %select_n3A, %c0_i32 : i32, i32
  }
  func.func @transform_1(%arg0: i32, %arg1: i32, %arg2: memref<24xi32, #tpu.memory_space<smem>>, %arg3: memref<24xi32, #tpu.memory_space<smem>>) -> (i32, i32) {
    %get3A = arith.index_cast %arg1 : i32 to index
    %get3A_0 = memref.load %arg3[%get3A] : memref<24xi32, #tpu.memory_space<smem>>
    %gt3A = arith.constant 0 : i32
    %gt3A_1 = arith.cmpi sgt, %get3A_0, %gt3A : i32
    %jit3A = arith.constant 0 : i32
    %select_n3A = arith.select %gt3A_1, %arg1, %jit3A : i32
    %c0_i32 = arith.constant 0 : i32
    %c0_i32_2 = arith.constant 0 : i32
    return %select_n3A, %c0_i32 : i32, i32
  }
  func.func @transform_2(%arg0: i32, %arg1: i32, %arg2: memref<24xi32, #tpu.memory_space<smem>>, %arg3: memref<24xi32, #tpu.memory_space<smem>>) -> (i32, i32, i32) {
    %get3A = arith.index_cast %arg1 : i32 to index
    %get3A_0 = memref.load %arg2[%get3A] : memref<24xi32, #tpu.memory_space<smem>>
    %c0_i32 = arith.constant 0 : i32
    %c0_i32_1 = arith.constant 0 : i32
    return %get3A_0, %arg0, %c0_i32 : i32, i32, i32
  }
  func.func @transform_3(%arg0: i32, %arg1: i32, %arg2: memref<24xi32, #tpu.memory_space<smem>>, %arg3: memref<24xi32, #tpu.memory_space<smem>>) -> (i32, i32, i32) {
    %get3A = arith.index_cast %arg1 : i32 to index
    %get3A_0 = memref.load %arg2[%get3A] : memref<24xi32, #tpu.memory_space<smem>>
    %c0_i32 = arith.constant 0 : i32
    %c0_i32_1 = arith.constant 0 : i32
    return %get3A_0, %arg0, %c0_i32 : i32, i32, i32
  }
  func.func @transform_4(%arg0: i32, %arg1: i32, %arg2: memref<24xi32, #tpu.memory_space<smem>>, %arg3: memref<24xi32, #tpu.memory_space<smem>>) -> (i32, i32, i32) {
    %get3A = arith.index_cast %arg1 : i32 to index
    %get3A_0 = memref.load %arg2[%get3A] : memref<24xi32, #tpu.memory_space<smem>>
    %c0_i32 = arith.constant 0 : i32
    %c0_i32_1 = arith.constant 0 : i32
    return %get3A_0, %c0_i32, %arg0 : i32, i32, i32
  }
  func.func @transform_8(%arg0: i32, %arg1: i32, %arg2: memref<24xi32, #tpu.memory_space<smem>>, %arg3: memref<24xi32, #tpu.memory_space<smem>>) -> (i32, i32) {
    %eq3A = arith.constant 1 : i32
    %eq3A_0 = arith.cmpi eq, %arg0, %eq3A : i32
    %get3A = arith.index_cast %arg1 : i32 to index
    %get3A_1 = memref.load %arg3[%get3A] : memref<24xi32, #tpu.memory_space<smem>>
    %gt3A = arith.constant 0 : i32
    %gt3A_2 = arith.cmpi sgt, %get3A_1, %gt3A : i32
    %and3A = arith.andi %eq3A_0, %gt3A_2 : i1
    %jit3A = arith.constant 24 : i32
    %select_n3A = arith.select %and3A, %arg1, %jit3A : i32
    %c0_i32 = arith.constant 0 : i32
    %c0_i32_3 = arith.constant 0 : i32
    return %select_n3A, %c0_i32 : i32, i32
  }
}

module attributes {stable_mosaic.version = 14 : i64} {
  func.func @_router_body(%arg0: memref<2048x768xf32, #tpu.memory_space<vmem>>, %arg1: memref<16x768xf32, #tpu.memory_space<vmem>>, %arg2: memref<2048x128xf32, #tpu.memory_space<vmem>>, %arg3: memref<2048x1xi32, #tpu.memory_space<vmem>>, %arg4: memref<24x1xi32, #tpu.memory_space<vmem>>, %arg5: memref<24x1xi32, #tpu.memory_space<vmem>>) attributes {dimension_semantics = [], scalar_prefetch = 0 : i64, scratch_operands = 0 : i64, tpu.core_type = #tpu.core_type<tc>} {
    %get3A = arith.constant 0 : index
    %get3A_0 = arith.constant 0 : index
    %get3A_1 = vector.load %arg0[%get3A, %get3A_0] : memref<2048x768xf32, #tpu.memory_space<vmem>>, vector<2048x768xf32>
    %get3A_2 = arith.constant 0 : index
    %get3A_3 = arith.constant 0 : index
    %get3A_4 = vector.load %arg1[%get3A_2, %get3A_3] : memref<16x768xf32, #tpu.memory_space<vmem>>, vector<16x768xf32>
    %dot_general3A = arith.constant dense<0.000000e+00> : vector<2048x16xf32>
    %dot_general3A_5 = tpu.matmul %get3A_1, %get3A_4, %dot_general3A {dimension_numbers = #tpu.dot_dimension_numbers<[1], [1], [0], [0], [0, 0, 1, 0], [], []>, transpose_lhs_hint = false} : vector<2048x768xf32>, vector<16x768xf32>, vector<2048x16xf32> -> vector<2048x16xf32>
    %reduce_max3A = arith.constant dense<0xFF800000> : vector<2048xf32>
    %reduce_max3A_6 = vector.multi_reduction <maximumf>, %dot_general3A_5, %reduce_max3A [1] : vector<2048x16xf32> to vector<2048xf32>
    %broadcast_in_dim3A = vector.shape_cast %reduce_max3A_6 : vector<2048xf32> to vector<2048x1xf32>
    %sub3A = vector.broadcast %broadcast_in_dim3A : vector<2048x1xf32> to vector<2048x16xf32>
    %sub3A_7 = arith.subf %dot_general3A_5, %sub3A : vector<2048x16xf32>
    %exp3A = math.exp %sub3A_7 : vector<2048x16xf32>
    %reduce_sum3A = arith.constant dense<0.000000e+00> : vector<2048xf32>
    %reduce_sum3A_8 = vector.multi_reduction <add>, %exp3A, %reduce_sum3A [1] : vector<2048x16xf32> to vector<2048xf32>
    %broadcast_in_dim3A_9 = vector.shape_cast %reduce_sum3A_8 : vector<2048xf32> to vector<2048x1xf32>
    %div3A = arith.constant 1.000000e+00 : f32
    %div3A_10 = vector.broadcast %div3A : f32 to vector<2048x1xf32>
    %div3A_11 = arith.divf %div3A_10, %broadcast_in_dim3A_9 : vector<2048x1xf32>
    %broadcast_in_dim3A_12 = vector.shape_cast %div3A_11 : vector<2048x1xf32> to vector<2048x1xf32>
    %broadcast_in_dim3A_13 = vector.broadcast %broadcast_in_dim3A_12 : vector<2048x1xf32> to vector<2048x128xf32>
    %swap3A = arith.constant 0 : index
    %swap3A_14 = arith.constant 0 : index
    %swap3A_15 = vector.load %arg2[%swap3A, %swap3A_14] : memref<2048x128xf32, #tpu.memory_space<vmem>>, vector<2048x128xf32>
    tpu.vector_store %arg2[%swap3A, %swap3A_14], %broadcast_in_dim3A_13 {strides = array<i32>} : memref<2048x128xf32, #tpu.memory_space<vmem>>, vector<2048x128xf32>,
    %iota3A = tpu.iota {dimensions = array<i32: 1>} : vector<2048x16xi32>
    %eq3A = vector.broadcast %broadcast_in_dim3A : vector<2048x1xf32> to vector<2048x16xf32>
    %eq3A_16 = arith.cmpf oeq, %dot_general3A_5, %eq3A : vector<2048x16xf32>
    %jit3A = arith.constant 1073741824 : i32
    %broadcast_in_dim3A_17 = vector.broadcast %jit3A : i32 to vector<2048x16xi32>
    %select_n3A = arith.select %eq3A_16, %iota3A, %broadcast_in_dim3A_17 : vector<2048x16xi1>, vector<2048x16xi32>
    %reduce_min3A = arith.constant dense<2147483647> : vector<2048xi32>
    %reduce_min3A_18 = vector.multi_reduction <minsi>, %select_n3A, %reduce_min3A [1] : vector<2048x16xi32> to vector<2048xi32>
    %broadcast_in_dim3A_19 = vector.shape_cast %reduce_min3A_18 : vector<2048xi32> to vector<2048x1xi32>
    %eq3A_20 = vector.broadcast %broadcast_in_dim3A_19 : vector<2048x1xi32> to vector<2048x16xi32>
    %eq3A_21 = arith.cmpi eq, %iota3A, %eq3A_20 : vector<2048x16xi32>
    %convert_element_type3A = arith.extui %eq3A_21 : vector<2048x16xi1> to vector<2048x16xi32>
    %reduce_sum3A_22 = arith.constant dense<0> : vector<16xi32>
    %reduce_sum3A_23 = vector.multi_reduction <add>, %convert_element_type3A, %reduce_sum3A_22 [0] : vector<2048x16xi32> to vector<16xi32>
    %broadcast_in_dim3A_24 = vector.shape_cast %reduce_sum3A_23 : vector<16xi32> to vector<1x16xi32>
    %broadcast_in_dim3A_25 = arith.constant 0 : i32
    %broadcast_in_dim3A_26 = vector.broadcast %broadcast_in_dim3A_25 : i32 to vector<1x16xi32>
    %slice3A = vector.extract_strided_slice %convert_element_type3A {offsets = [0, 0], sizes = [2047, 16], strides = [1, 1]} : vector<2048x16xi32> to vector<2047x16xi32>
    %concatenate3A = tpu.concatenate %broadcast_in_dim3A_26, %slice3A in 0 : vector<1x16xi32>, vector<2047x16xi32> -> vector<2048x16xi32>
    %add3A = arith.addi %convert_element_type3A, %concatenate3A : vector<2048x16xi32>
    %broadcast_in_dim3A_27 = arith.constant 0 : i32
    %broadcast_in_dim3A_28 = vector.broadcast %broadcast_in_dim3A_27 : i32 to vector<2x16xi32>
    %slice3A_29 = vector.extract_strided_slice %add3A {offsets = [0, 0], sizes = [2046, 16], strides = [1, 1]} : vector<2048x16xi32> to vector<2046x16xi32>
    %concatenate3A_30 = tpu.concatenate %broadcast_in_dim3A_28, %slice3A_29 in 0 : vector<2x16xi32>, vector<2046x16xi32> -> vector<2048x16xi32>
    %add3A_31 = arith.addi %add3A, %concatenate3A_30 : vector<2048x16xi32>
    %broadcast_in_dim3A_32 = arith.constant 0 : i32
    %broadcast_in_dim3A_33 = vector.broadcast %broadcast_in_dim3A_32 : i32 to vector<4x16xi32>
    %slice3A_34 = vector.extract_strided_slice %add3A_31 {offsets = [0, 0], sizes = [2044, 16], strides = [1, 1]} : vector<2048x16xi32> to vector<2044x16xi32>
    %concatenate3A_35 = tpu.concatenate %broadcast_in_dim3A_33, %slice3A_34 in 0 : vector<4x16xi32>, vector<2044x16xi32> -> vector<2048x16xi32>
    %add3A_36 = arith.addi %add3A_31, %concatenate3A_35 : vector<2048x16xi32>
    %broadcast_in_dim3A_37 = arith.constant 0 : i32
    %broadcast_in_dim3A_38 = vector.broadcast %broadcast_in_dim3A_37 : i32 to vector<8x16xi32>
    %slice3A_39 = vector.extract_strided_slice %add3A_36 {offsets = [0, 0], sizes = [2040, 16], strides = [1, 1]} : vector<2048x16xi32> to vector<2040x16xi32>
    %concatenate3A_40 = tpu.concatenate %broadcast_in_dim3A_38, %slice3A_39 in 0 : vector<8x16xi32>, vector<2040x16xi32> -> vector<2048x16xi32>
    %add3A_41 = arith.addi %add3A_36, %concatenate3A_40 : vector<2048x16xi32>
    %broadcast_in_dim3A_42 = arith.constant 0 : i32
    %broadcast_in_dim3A_43 = vector.broadcast %broadcast_in_dim3A_42 : i32 to vector<16x16xi32>
    %slice3A_44 = vector.extract_strided_slice %add3A_41 {offsets = [0, 0], sizes = [2032, 16], strides = [1, 1]} : vector<2048x16xi32> to vector<2032x16xi32>
    %concatenate3A_45 = tpu.concatenate %broadcast_in_dim3A_43, %slice3A_44 in 0 : vector<16x16xi32>, vector<2032x16xi32> -> vector<2048x16xi32>
    %add3A_46 = arith.addi %add3A_41, %concatenate3A_45 : vector<2048x16xi32>
    %broadcast_in_dim3A_47 = arith.constant 0 : i32
    %broadcast_in_dim3A_48 = vector.broadcast %broadcast_in_dim3A_47 : i32 to vector<32x16xi32>
    %slice3A_49 = vector.extract_strided_slice %add3A_46 {offsets = [0, 0], sizes = [2016, 16], strides = [1, 1]} : vector<2048x16xi32> to vector<2016x16xi32>
    %concatenate3A_50 = tpu.concatenate %broadcast_in_dim3A_48, %slice3A_49 in 0 : vector<32x16xi32>, vector<2016x16xi32> -> vector<2048x16xi32>
    %add3A_51 = arith.addi %add3A_46, %concatenate3A_50 : vector<2048x16xi32>
    %broadcast_in_dim3A_52 = arith.constant 0 : i32
    %broadcast_in_dim3A_53 = vector.broadcast %broadcast_in_dim3A_52 : i32 to vector<64x16xi32>
    %slice3A_54 = vector.extract_strided_slice %add3A_51 {offsets = [0, 0], sizes = [1984, 16], strides = [1, 1]} : vector<2048x16xi32> to vector<1984x16xi32>
    %concatenate3A_55 = tpu.concatenate %broadcast_in_dim3A_53, %slice3A_54 in 0 : vector<64x16xi32>, vector<1984x16xi32> -> vector<2048x16xi32>
    %add3A_56 = arith.addi %add3A_51, %concatenate3A_55 : vector<2048x16xi32>
    %broadcast_in_dim3A_57 = arith.constant 0 : i32
    %broadcast_in_dim3A_58 = vector.broadcast %broadcast_in_dim3A_57 : i32 to vector<128x16xi32>
    %slice3A_59 = vector.extract_strided_slice %add3A_56 {offsets = [0, 0], sizes = [1920, 16], strides = [1, 1]} : vector<2048x16xi32> to vector<1920x16xi32>
    %concatenate3A_60 = tpu.concatenate %broadcast_in_dim3A_58, %slice3A_59 in 0 : vector<128x16xi32>, vector<1920x16xi32> -> vector<2048x16xi32>
    %add3A_61 = arith.addi %add3A_56, %concatenate3A_60 : vector<2048x16xi32>
    %broadcast_in_dim3A_62 = arith.constant 0 : i32
    %broadcast_in_dim3A_63 = vector.broadcast %broadcast_in_dim3A_62 : i32 to vector<256x16xi32>
    %slice3A_64 = vector.extract_strided_slice %add3A_61 {offsets = [0, 0], sizes = [1792, 16], strides = [1, 1]} : vector<2048x16xi32> to vector<1792x16xi32>
    %concatenate3A_65 = tpu.concatenate %broadcast_in_dim3A_63, %slice3A_64 in 0 : vector<256x16xi32>, vector<1792x16xi32> -> vector<2048x16xi32>
    %add3A_66 = arith.addi %add3A_61, %concatenate3A_65 : vector<2048x16xi32>
    %broadcast_in_dim3A_67 = arith.constant 0 : i32
    %broadcast_in_dim3A_68 = vector.broadcast %broadcast_in_dim3A_67 : i32 to vector<512x16xi32>
    %slice3A_69 = vector.extract_strided_slice %add3A_66 {offsets = [0, 0], sizes = [1536, 16], strides = [1, 1]} : vector<2048x16xi32> to vector<1536x16xi32>
    %concatenate3A_70 = tpu.concatenate %broadcast_in_dim3A_68, %slice3A_69 in 0 : vector<512x16xi32>, vector<1536x16xi32> -> vector<2048x16xi32>
    %add3A_71 = arith.addi %add3A_66, %concatenate3A_70 : vector<2048x16xi32>
    %broadcast_in_dim3A_72 = arith.constant 0 : i32
    %broadcast_in_dim3A_73 = vector.broadcast %broadcast_in_dim3A_72 : i32 to vector<1024x16xi32>
    %slice3A_74 = vector.extract_strided_slice %add3A_71 {offsets = [0, 0], sizes = [1024, 16], strides = [1, 1]} : vector<2048x16xi32> to vector<1024x16xi32>
    %concatenate3A_75 = tpu.concatenate %broadcast_in_dim3A_73, %slice3A_74 in 0 : vector<1024x16xi32>, vector<1024x16xi32> -> vector<2048x16xi32>
    %add3A_76 = arith.addi %add3A_71, %concatenate3A_75 : vector<2048x16xi32>
    %sub3A_77 = arith.subi %add3A_76, %convert_element_type3A : vector<2048x16xi32>
    %add3A_78 = arith.constant 255 : i32
    %add3A_79 = vector.broadcast %add3A_78 : i32 to vector<1x16xi32>
    %add3A_80 = arith.addi %broadcast_in_dim3A_24, %add3A_79 : vector<1x16xi32>
    %shift_right_arithmetic3A = arith.constant 8 : i32
    %shift_right_arithmetic3A_81 = vector.broadcast %shift_right_arithmetic3A : i32 to vector<1x16xi32>
    %shift_right_arithmetic3A_82 = arith.shrsi %add3A_80, %shift_right_arithmetic3A_81 : vector<1x16xi32>
    %shift_left3A = arith.constant 8 : i32
    %shift_left3A_83 = vector.broadcast %shift_left3A : i32 to vector<1x16xi32>
    %shift_left3A_84 = arith.shli %shift_right_arithmetic3A_82, %shift_left3A_83 : vector<1x16xi32>
    %broadcast_in_dim3A_85 = arith.constant 0 : i32
    %broadcast_in_dim3A_86 = vector.broadcast %broadcast_in_dim3A_85 : i32 to vector<1x1xi32>
    %slice3A_87 = vector.extract_strided_slice %shift_left3A_84 {offsets = [0, 0], sizes = [1, 15], strides = [1, 1]} : vector<1x16xi32> to vector<1x15xi32>
    %concatenate3A_88 = tpu.concatenate %broadcast_in_dim3A_86, %slice3A_87 in 1 : vector<1x1xi32>, vector<1x15xi32> -> vector<1x16xi32>
    %add3A_89 = arith.addi %shift_left3A_84, %concatenate3A_88 : vector<1x16xi32>
    %broadcast_in_dim3A_90 = arith.constant 0 : i32
    %broadcast_in_dim3A_91 = vector.broadcast %broadcast_in_dim3A_90 : i32 to vector<1x2xi32>
    %slice3A_92 = vector.extract_strided_slice %add3A_89 {offsets = [0, 0], sizes = [1, 14], strides = [1, 1]} : vector<1x16xi32> to vector<1x14xi32>
    %concatenate3A_93 = tpu.concatenate %broadcast_in_dim3A_91, %slice3A_92 in 1 : vector<1x2xi32>, vector<1x14xi32> -> vector<1x16xi32>
    %add3A_94 = arith.addi %add3A_89, %concatenate3A_93 : vector<1x16xi32>
    %broadcast_in_dim3A_95 = arith.constant 0 : i32
    %broadcast_in_dim3A_96 = vector.broadcast %broadcast_in_dim3A_95 : i32 to vector<1x4xi32>
    %slice3A_97 = vector.extract_strided_slice %add3A_94 {offsets = [0, 0], sizes = [1, 12], strides = [1, 1]} : vector<1x16xi32> to vector<1x12xi32>
    %concatenate3A_98 = tpu.concatenate %broadcast_in_dim3A_96, %slice3A_97 in 1 : vector<1x4xi32>, vector<1x12xi32> -> vector<1x16xi32>
    %add3A_99 = arith.addi %add3A_94, %concatenate3A_98 : vector<1x16xi32>
    %broadcast_in_dim3A_100 = arith.constant 0 : i32
    %broadcast_in_dim3A_101 = vector.broadcast %broadcast_in_dim3A_100 : i32 to vector<1x8xi32>
    %slice3A_102 = vector.extract_strided_slice %add3A_99 {offsets = [0, 0], sizes = [1, 8], strides = [1, 1]} : vector<1x16xi32> to vector<1x8xi32>
    %concatenate3A_103 = tpu.concatenate %broadcast_in_dim3A_101, %slice3A_102 in 1 : vector<1x8xi32>, vector<1x8xi32> -> vector<1x16xi32>
    %add3A_104 = arith.addi %add3A_99, %concatenate3A_103 : vector<1x16xi32>
    %sub3A_105 = arith.subi %add3A_104, %shift_left3A_84 : vector<1x16xi32>
    %add3A_106 = vector.broadcast %sub3A_105 : vector<1x16xi32> to vector<2048x16xi32>
    %add3A_107 = arith.addi %add3A_106, %sub3A_77 : vector<2048x16xi32>
    %mul3A = arith.muli %convert_element_type3A, %add3A_107 : vector<2048x16xi32>
    %reduce_sum3A_108 = arith.constant dense<0> : vector<2048xi32>
    %reduce_sum3A_109 = vector.multi_reduction <add>, %mul3A, %reduce_sum3A_108 [1] : vector<2048x16xi32> to vector<2048xi32>
    %broadcast_in_dim3A_110 = vector.shape_cast %reduce_sum3A_109 : vector<2048xi32> to vector<2048x1xi32>
    %swap3A_111 = arith.constant 0 : index
    %swap3A_112 = arith.constant 0 : index
    %swap3A_113 = vector.load %arg3[%swap3A_111, %swap3A_112] : memref<2048x1xi32, #tpu.memory_space<vmem>>, vector<2048x1xi32>
    tpu.vector_store %arg3[%swap3A_111, %swap3A_112], %broadcast_in_dim3A_110 {strides = array<i32>} : memref<2048x1xi32, #tpu.memory_space<vmem>>, vector<2048x1xi32>,
    %iota3A_114 = tpu.iota {dimensions = array<i32: 0>} : vector<24x16xi32>
    %mul3A_115 = arith.constant 256 : i32
    %mul3A_116 = vector.broadcast %mul3A_115 : i32 to vector<24x16xi32>
    %mul3A_117 = arith.muli %iota3A_114, %mul3A_116 : vector<24x16xi32>
    %ge3A = vector.broadcast %add3A_104 : vector<1x16xi32> to vector<24x16xi32>
    %ge3A_118 = arith.cmpi sge, %mul3A_117, %ge3A : vector<24x16xi32>
    %convert_element_type3A_119 = arith.extui %ge3A_118 : vector<24x16xi1> to vector<24x16xi32>
    %reduce_sum3A_120 = arith.constant dense<0> : vector<24xi32>
    %reduce_sum3A_121 = vector.multi_reduction <add>, %convert_element_type3A_119, %reduce_sum3A_120 [1] : vector<24x16xi32> to vector<24xi32>
    %broadcast_in_dim3A_122 = vector.shape_cast %reduce_sum3A_121 : vector<24xi32> to vector<24x1xi32>
    %iota3A_123 = tpu.iota {dimensions = array<i32: 1>} : vector<1x16xi32>
    %gt3A = arith.constant 0 : i32
    %gt3A_124 = vector.broadcast %gt3A : i32 to vector<1x16xi32>
    %gt3A_125 = arith.cmpi sgt, %broadcast_in_dim3A_24, %gt3A_124 : vector<1x16xi32>
    %jit3A_126 = arith.constant 0 : i32
    %broadcast_in_dim3A_127 = vector.broadcast %jit3A_126 : i32 to vector<1x16xi32>
    %select_n3A_128 = arith.select %gt3A_125, %iota3A_123, %broadcast_in_dim3A_127 : vector<1x16xi1>, vector<1x16xi32>
    %reduce_max3A_129 = arith.constant dense<-2147483648> : vector<1xi32>
    %reduce_max3A_130 = vector.multi_reduction <maxsi>, %select_n3A_128, %reduce_max3A_129 [1] : vector<1x16xi32> to vector<1xi32>
    %broadcast_in_dim3A_131 = vector.shape_cast %reduce_max3A_130 : vector<1xi32> to vector<1x1xi32>
    %min3A = vector.broadcast %broadcast_in_dim3A_131 : vector<1x1xi32> to vector<24x1xi32>
    %min3A_132 = arith.minsi %broadcast_in_dim3A_122, %min3A : vector<24x1xi32>
    %swap3A_133 = arith.constant 0 : index
    %swap3A_134 = arith.constant 0 : index
    %swap3A_135 = vector.load %arg4[%swap3A_133, %swap3A_134] : memref<24x1xi32, #tpu.memory_space<vmem>>, vector<24x1xi32>
    tpu.vector_store %arg4[%swap3A_133, %swap3A_134], %min3A_132 {strides = array<i32>} : memref<24x1xi32, #tpu.memory_space<vmem>>, vector<24x1xi32>,
    %slice3A_136 = vector.extract_strided_slice %add3A_104 {offsets = [0, 15], sizes = [1, 1], strides = [1, 1]} : vector<1x16xi32> to vector<1x1xi32>
    %iota3A_137 = tpu.iota {dimensions = array<i32: 0>} : vector<24x1xi32>
    %mul3A_138 = arith.constant 256 : i32
    %mul3A_139 = vector.broadcast %mul3A_138 : i32 to vector<24x1xi32>
    %mul3A_140 = arith.muli %iota3A_137, %mul3A_139 : vector<24x1xi32>
    %lt3A = vector.broadcast %slice3A_136 : vector<1x1xi32> to vector<24x1xi32>
    %lt3A_141 = arith.cmpi slt, %mul3A_140, %lt3A : vector<24x1xi32>
    %convert_element_type3A_142 = arith.extui %lt3A_141 : vector<24x1xi1> to vector<24x1xi32>
    %swap3A_143 = arith.constant 0 : index
    %swap3A_144 = arith.constant 0 : index
    %swap3A_145 = vector.load %arg5[%swap3A_143, %swap3A_144] : memref<24x1xi32, #tpu.memory_space<vmem>>, vector<24x1xi32>
    tpu.vector_store %arg5[%swap3A_143, %swap3A_144], %convert_element_type3A_142 {strides = array<i32>} : memref<24x1xi32, #tpu.memory_space<vmem>>, vector<24x1xi32>,
    return
  }
}

</mosaic_0001>

<sc_bundles>
// kernel: kernel.6.cloned.1.call-start
scs
__scs_entry_jumppad:
0x0: {  	(pc) =	sbr.rel $0x88, $3  }
0x1: {  	(tag) =	ssettag $0x0;
	lr =	simm.s32 $0x1  }
0x2: {  	[smem:$0x3F99] =	sst lr;
	_ =	strace $0xD0000000  }
0x3: {  	_ = 	snop  }
0x4: {  	_ = 	snop  }
0x5: {  	_ = 	snop  }
0x6: {  	_ = 	snop  }
0x7: {  	_ = 	snop  }
__scs_overlays_trampoline_lowered:
0x8: {  	[smem:$0x3FA8] =	sst s0  }
0x9: {  	[smem:$0x3FA9] =	sst s1  }
0xa: {  	[smem:$0x3FAA] =	sst s2  }
0xb: {  	[smem:$0x3FAB] =	sst s3  }
0xc: {  	[smem:$0x3FAC] =	sst s4  }
0xd: {  	[smem:$0x3FAD] =	sst s5  }
0xe: {  	[smem:$0x3FAE] =	sst s6  }
0xf: {  	[smem:$0x3FAF] =	sst s7  }
0x10: {  	[smem:$0x3FB0] =	sst s8  }
0x11: {  	[smem:$0x3FB1] =	sst s9;
	s0 =	simm.s32 @!p0 $0x0  }
0x12: {  	s1 =	sld [smem:$0x3F97];
	s0 =	simm.s32 @p0 $0x1  }
0x13: {  	[smem:$0x3FB2] =	sst s0;
	s0 =	simm.s32 @!p1 $0x0  }
0x14: {  	s2 =	sld [smem:$0x3F96];
	s0 =	simm.s32 @p1 $0x1  }
0x15: {  	[smem:$0x3FB3] =	sst s0;
	s0 =	simm.s32 @!p2 $0x0  }
0x16: {  	s3 =	sld [smem:$0x3FDB];
	s0 =	simm.s32 @p2 $0x1  }
0x17: {  	s4 =	simm.s32 $0x1BF5;
	[smem:$0x3FB5] =	sst s0  }
0x18: {  	s0 =	sld [smem:$0x3F98];
	_ =	swait.ge [sflag:s4], $0x0  }
0x19: {  	s7 =	sld [smem:$0x3F99]  }
0x1a: {  	s8 =	sadd.s32 $0xFFFFE003, lr  }
0x1b: {  	s9 =	sadd.s32 $0xFFFFFEF7, lr;
	s5 =	simm.s32 $0xFFFFFFFF;
	p2 =	slt.u32 s8, $0xFFFFF086  }
0x1c: {  	p1 =	slt.u32 s9, $0xF7A;
	s5 =	simm.s32 @!p2 $0x0  }
0x1d: {  	s5 =	simm.s32 @p1 $0x1;
	p0 =	seq.s32 s7, s2  }
0x1e: {  	s7 =	smul.u32 @!p0 $0xF7A, s2;
	p2 =	seq.s32 @!p0 s5, $0x0  }
0x1f: {  	s9 =	smul.u32 $0xF7A, s1;
	s8 =	simm.s32 @!p0 $0x1BF5;
	p2 =	por !p2, p0  }
0x20: {  	[sflag:s8] =	ssyncset.s32 @!p0 $0xFFFFF086;
	s6 =	sadd.s32 @!p0 s3, s7;
	s7 =	simm.s32 @!p0 $0x108  }
0x21: {  	s3 =	sadd.s32 s3, s9;
	s6 =	sadd.s32 @!p0 $0x88, s6;
	s7 =	simm.s32 @p2 $0x1082  }
0x22: {  	[simem:s7], [sflag:s8] =	dma.local @!p0 [hbm:s6], $0xF7A  }
0x23: {  	s9 =	sor.u32 $0xD0000000, s2;
	s6 =	simm.s32 $0x108;
	_ =	swait.ge @!p0 [sflag:s8], $0x0  }
0x24: {  	s3 =	sadd.s32 $0x88, s3;
	s6 =	simm.s32 @!p1 $0x1082;
	[sflag:s4] =	ssyncset.s32 $0xFFFFF086  }
0x25: {  	[simem:s6], [sflag:s4] =	dma.local [hbm:s3], $0xF7A  }
0x26: {  	[smem:$0x3F99] =	sst s1;
	(tag) =	ssettag s2;
	_ =	strace s9  }
0x27: {  	s1 =	sld [smem:$0x3FA9]  }
0x28: {  	s2 =	sld [smem:$0x3FAA]  }
0x29: {  	s4 =	sld [smem:$0x3FAC]  }
0x2a: {  	p0 =	seq.s32 s5, $0x0;
	s5 =	sld [smem:$0x3FAD]  }
0x2b: {  	s6 =	sld [smem:$0x3FAE]  }
0x2c: {  	s7 =	sld [smem:$0x3FAF]  }
0x2d: {  	s3 =	simm.s32 $0x108;
	s8 =	sld [smem:$0x3FB0]  }
0x2e: {  	s3 =	simm.s32 @!p0 $0x1082;
	s9 =	sld [smem:$0x3FB1]  }
0x2f: {  	lr =	sadd.s32 s0, s3;
	s0 =	sld [smem:$0x3FA8]  }
0x30: {  	s3 =	sld [smem:$0x3FAB]  }
0x31: {  	[smem:$0x3FB4] =	sst s10  }
0x32: {  	s10 =	sld [smem:$0x3FB2];
	_ =	sdelay $0x3  }
0x33: {  	p0 =	seq.s32 s10, $0x1;
	s10 =	sld [smem:$0x3FB4];
	_ =	sdelay $0x3  }
0x34: {  	[smem:$0x3FB4] =	sst s10  }
0x35: {  	s10 =	sld [smem:$0x3FB3];
	_ =	sdelay $0x3  }
0x36: {  	p1 =	seq.s32 s10, $0x1;
	s10 =	sld [smem:$0x3FB4];
	_ =	sdelay $0x3  }
0x37: {  	[smem:$0x3FB4] =	sst s10  }
0x38: {  	s10 =	sld [smem:$0x3FB5]  }
0x39: {  	_ = 	snop;
	(pc) =	sbr.ind lr, $3  }
0x3a: {  	_ = 	snop  }
0x3b: {  	_ = 	snop  }
0x3c: {  	p2 =	seq.s32 s10, $0x1;
	s10 =	sld [smem:$0x3FB4]  }
0x3d: {  	_ =	shalt  }
0x3e: {  	_ =	shalt  }
0x3f: {  	_ =	shalt  }
0x40: {  	_ =	shalt  }
0x41: {  	_ =	shalt  }
0x42: {  	_ =	shalt  }
0x43: {  	_ =	shalt  }
0x44: {  	_ =	shalt  }
0x45: {  	_ =	shalt  }
0x46: {  	_ =	shalt  }
0x47: {  	_ =	shalt  }
0x48: {  	_ =	shalt  }
0x49: {  	_ =	shalt  }
0x4a: {  	_ =	shalt  }
0x4b: {  	_ =	shalt  }
0x4c: {  	_ =	shalt  }
0x4d: {  	_ =	shalt  }
0x4e: {  	_ =	shalt  }
0x4f: {  	_ =	shalt  }
0x50: {  	_ =	shalt  }
0x51: {  	_ =	shalt  }
0x52: {  	_ =	shalt  }
0x53: {  	_ =	shalt  }
0x54: {  	_ =	shalt  }
0x55: {  	_ =	shalt  }
0x56: {  	_ =	shalt  }
0x57: {  	_ =	shalt  }
0x58: {  	_ =	shalt  }
0x59: {  	_ =	shalt  }
0x5a: {  	_ =	shalt  }
0x5b: {  	_ =	shalt  }
0x5c: {  	_ =	shalt  }
0x5d: {  	_ =	shalt  }
0x5e: {  	_ =	shalt  }
0x5f: {  	_ =	shalt  }
0x60: {  	_ =	shalt  }
0x61: {  	_ =	shalt  }
0x62: {  	_ =	shalt  }
0x63: {  	_ =	shalt  }
0x64: {  	_ =	shalt  }
0x65: {  	_ =	shalt  }
0x66: {  	_ =	shalt  }
0x67: {  	_ =	shalt  }
0x68: {  	_ =	shalt  }
0x69: {  	_ =	shalt  }
0x6a: {  	_ =	shalt  }
0x6b: {  	_ =	shalt  }
0x6c: {  	_ =	shalt  }
0x6d: {  	_ =	shalt  }
0x6e: {  	_ =	shalt  }
0x6f: {  	_ =	shalt  }
0x70: {  	_ =	shalt  }
0x71: {  	_ =	shalt  }
0x72: {  	_ =	shalt  }
0x73: {  	_ =	shalt  }
0x74: {  	_ =	shalt  }
0x75: {  	_ =	shalt  }
0x76: {  	_ =	shalt  }
0x77: {  	_ =	shalt  }
0x78: {  	_ =	shalt  }
0x79: {  	_ =	shalt  }
0x7a: {  	_ =	shalt  }
0x7b: {  	_ =	shalt  }
0x7c: {  	_ =	shalt  }
0x7d: {  	_ =	shalt  }
0x7e: {  	_ =	shalt  }
0x7f: {  	_ =	shalt  }
0x80: {  	_ =	shalt  }
0x81: {  	_ =	shalt  }
0x82: {  	_ =	shalt  }
0x83: {  	_ =	shalt  }
0x84: {  	_ =	shalt  }
0x85: {  	_ =	shalt  }
0x86: {  	_ =	shalt  }
0x87: {  	_ =	shalt  }
.Lfunc_end0:
.L_simem_size_0:
called_computation_lowered:
.L_overlay_start_0:
0x88: {  	s2 =	sld [smem:$0x3FD9]  }
0x89: {  	s3 =	sld [smem:$0x3FFE];
	_ =	sdelay $0x1  }
0x8a: {  	s1 =	srdreg.scid  }
0x8b: {  	s0 =	sand.u32 $0x1, s1  }
0x8c: {  	s17 =	sshll.u32 s0, $0xA;
	s2 =	sadd.s32 s3, s2  }
0x8d: {  	s2 =	sadd.s32 s2, s17  }
0x8e: {  	[smem:$0x3FC0] =	sst s2  }
0x8f: {  	_ = 	snop  }
0x90: {  	s2 =	sld [smem:$0x3FC9]  }
0x91: {  	s18 =	sld [smem:$0x3FD0];
	(tm) =	ssettm $0x1  }
0x92: {  	s4 =	sld [smem:$0x3FFB];
	_ =	sdelay $0x3  }
0x93: {  	_ =	strace s4  }
0x94: {  	s4 =	sld [smem:$0x3FFC];
	_ =	sdelay $0x3  }
0x95: {  	_ =	strace s4  }
0x96: {  	s4 =	sld [smem:$0x3FFD];
	_ =	sdelay $0x3  }
0x97: {  	_ =	strace s4  }
0x98: {  	_ =	strace $0x8FFFFFFF  }
0x99: {  	s19 =	sld [smem:$0x3FDB];
	_ =	sdelay $0x1  }
0x9a: {  	s5 =	simm.s32 $_scs_section_size  }
0x9b: {  	s6 =	simm.s32 $_size__tile_overlayer_lowered;
	s7 =	simm.s32 $_tile_overlayer_lowered  }
0x9c: {  	s22 =	simm.s32 $0x1BFF;
	s21 =	sshll.u32 s7, $0x1;
	s4 =	sadd.s32 s5, s19  }
0x9d: {  	s8 =	simm.s32 $0x0;
	s20 =	sshll.u32 s6, $0x1;
	s6 =	sadd.s32 s21, s4  }
0x9e: {  	[timem:s8], [sflag:s22] =	dma.local [hbm:s6], s20  }
0x9f: {  	_ =	swait.ge [sflag:s22], s20  }
0xa0: {  	s5 =	ssub.s32 $0x0, s20;
	[sflag:s22] =	ssyncset.done $0x0  }
0xa1: {  	[sflag:s22] =	ssyncadd.s32 s5;
	_ =	sdelay $0x1  }
0xa2: {  	s23 =	simm.s32 $0x1B8B  }
0xa3: {  	_ =	swait.ge [sflag:s23], $0x1  }
0xa4: {  	[sflag:s23] =	ssyncset.done $0x0  }
0xa5: {  	s25 =	simm.s32 $0x1B8E;
	s24 =	sld [smem:$0x3FFE];
	[sflag:s23] =	ssyncadd.s32 $0xFFFFFFFF  }
0xa6: {  	s26 =	simm.s32 $execute0_lowered;
	[smem:$0x3FD2] =	sst s25  }
0xa7: {  	s6 =	sshll.u32 s26, $0x1;
	_ =	strace $0x80000046;
	[dreg:$0x1] =	wrdreg $0xFFFFFFFF  }
0xa8: {  	s28 =	simm.s32 $_size_execute0_lowered;
	s4 =	sadd.s32 s4, s6;
	[dreg:$0x0] =	wrdreg $0x0  }
0xa9: {  	s6 =	sshll.u32 s28, $0x1;
	[dreg:$0x2] =	wrdreg s4  }
0xaa: {  	[dreg:$0x3] =	wrdreg s6  }
0xab: {  	[dreg:$0x4] =	wrdreg $0xC0  }
0xac: {  	_ =	task [dreg:s8], $0x5FFFF  }
0xad: {  	[dreg:$0x1] =	wrdreg $0xFFFFFFFF  }
0xae: {  	[dreg:$0x0] =	wrdreg $0x60  }
0xaf: {  	[dreg:$0x2] =	wrdreg s24  }
0xb0: {  	[dreg:$0x3] =	wrdreg s2  }
0xb1: {  	[dreg:$0x4] =	wrdreg s18  }
0xb2: {  	[dreg:$0x5] =	wrdreg $0x9  }
0xb3: {  	_ =	task.clear_ibuf [dreg:s8], $0x6FFFF;
	_ =	strace $0x90000046  }
0xb4: {  	s29 =	simm.s32 $0x9;
	_ =	strace $0x80000048  }
0xb5: {  	_ =	swait.ge [sflag:s29], $0x1  }
0xb6: {  	[sflag:s29] =	ssyncadd.s32 $0xFFFFFFFF  }
0xb7: {  	_ =	strace $0x90000048  }
0xb8: {  	_ =	sfence  }
0xb9: {  	s30 =	sld [smem:$0x0];
	_ =	sdelay $0x2  }
0xba: {  	s31 =	sshll.u32 s1, $0xD;
	s1 =	sshrl.u32 s1, $0x2  }
0xbb: {  	s3 =	sand.u32 $0x4000, s31;
	s1 =	sadd.s32 s1, s30  }
0xbc: {  	s0 =	sor.u32 s3, s0;
	s1 =	sshll.u32 s1, $0x11  }
0xbd: {  	s0 =	sor.u32 s1, s0  }
0xbe: {  	s0 =	sadd.s32 $0x8F2B, s0  }
0xbf: {  	[sflag:s0] =	ssyncadd.remote.s32 $0x1  }
0xc0: {  	_ =	sfence.sel $0xFFFF  }
0xc1: {  	[dreg:$0x0] =	wrdreg $0xFFFFFFFF;
	(pc) =	sbr.abs _section_cstart, $3  }
0xc2: {  	[dreg:$0x1] =	wrdreg $0xFFFFFFFF  }
0xc3: {  	_ =	task.clear_ibuf [dreg:s8], $0x2FFFF;
	_ =	strace $0x9FFFFFFF  }
0xc4: {  	(tm) =	ssettm $0x7FFFFFFF  }
0xc5: {  	_ =	shalt  }
tec
execute0_lowered:
.L_overlay_start_1:
0x0: {  	(tag) =	ssettag $0x1  }
0x1: {  	s0 =	rddreg [dreg:$0x0]  }
0x2: {  	s5 =	rddreg [dreg:$0x1]  }
0x3: {  	s1 =	rddreg [dreg:$0x2];
	s3 =	simm.s32 $0x0;
	s4 =	srdreg.scid  }
0x4: {  	s2 =	stileid.u32;
	s17 =	simm.s32 $0x900;
	s18 =	simm.s32 $0x1100  }
0x5: {  	s19 =	simm.s32 $0x1900;
	s20 =	simm.s32 $0x2100;
	[smem:$0x7FF] =	sst s3  }
0x6: {  	s21 =	simm.s32 $0x2900;
	_ =	strace $0x80000047;
	[dreg:$0xa] =	wrdreg s17  }
0x7: {  	s22 =	simm.s32 $0x3100;
	s23 =	simm.s32 $0x3900;
	[dreg:$0xb] =	wrdreg s18  }
0x8: {  	s24 =	simm.s32 $0x4100;
	s28 =	simm.s32 $0xB100;
	[dreg:$0xc] =	wrdreg s19  }
0x9: {  	s29 =	simm.s32 $0xB900;
	s30 =	simm.s32 $0x5;
	[dreg:$0xd] =	wrdreg s20  }
0xa: {  	s31 =	simm.s32 $0x20;
	s6 =	sand.u32 $0x1, s4;
	[dreg:$0xe] =	wrdreg s21  }
0xb: {  	s7 =	sadd.s32 $0x8400, s0;
	s8 =	sshll.u32 s2, $0x7;
	[dreg:$0xf] =	wrdreg s22  }
0xc: {  	s10 =	sadd.s32 $0x400, s0;
	s4 =	sadd.s32 $0x8600, s0;
	[dreg:$0x10] =	wrdreg s23  }
0xd: {  	s9 =	sshll.u32 s6, $0x6;
	s6 =	ssub.s32 $0x2, s6;
	[dreg:$0x11] =	wrdreg s24  }
0xe: {  	s17 =	simm.s32 $0x4;
	s18 =	simm.s32 $0x6900;
	s19 =	simm.s32 $0x7100  }
0xf: {  	s20 =	simm.s32 $0x7900;
	s21 =	simm.s32 $0x8100;
	s22 =	simm.s32 $0x8900  }
0x10: {  	s23 =	simm.s32 $0x9100;
	s24 =	simm.s32 $0x9900;
	s8 =	sor.u32 s9, s8  }
0x11: {  	s26 =	sshrl.u32 s6, $0x1;
	s9 =	sshrl.u32 s8, $0x3;
	s11 =	sor.u32 $0x20, s8  }
0x12: {  	s15 =	ssub.s32 s6, s26;
	s6 =	sadd.s32 $0x8800, s0;
	s26 =	simm.s32 $0x5100  }
0x13: {  	s12 =	sadd.s32 s7, s9;
	s13 =	sshrl.u32 s11, $0x3;
	s9 =	smul.u32 $0x300, s9  }
0x14: {  	s14 =	sshll.u32 s11, $0x4;
	s11 =	simm.s32 $0xC100;
	[dreg:$0x13] =	wrdreg s26  }
0x15: {  	s26 =	simm.s32 $0xA900;
	[dreg:$0x4] =	wrdreg s12;
	s7 =	sadd.s32 s7, s13  }
0x16: {  	s25 =	smul.u32 $0x300, s13;
	s16 =	sadd.s32 s10, s14;
	s13 =	simm.s32 $0x1  }
0x17: {  	s14 =	simm.s32 $0x3;
	[dreg:$0x5] =	wrdreg s7;
	s2 =	sadd.s32 s5, s9  }
0x18: {  	s9 =	sshll.u32 s8, $0x4;
	[dreg:$0x9] =	wrdreg s16;
	s7 =	smax.u32 s15, $0x1  }
0x19: {  	s8 =	simm.s32 $0x80;
	s16 =	simm.s32 $0x2;
	[dreg:$0x6] =	wrdreg s2  }
0x1a: {  	s5 =	sadd.s32 s5, s25;
	s12 =	sadd.s32 s10, s9;
	s9 =	simm.s32 $0x100  }
0x1b: {  	v2 =	vlaneseq.u32;
	s10 =	simm.s32 $0x6100;
	s25 =	simm.s32 $0x4900;
	[dreg:$0x7] =	wrdreg s5  }
0x1c: {  	vm0 =	vmmov $0xffff;
	v1 =	vshrl.u32 v2, $0x3;
	[dreg:$0x8] =	wrdreg s12;
	s5 =	sadd.s32 $0x8700, s0;
	s12 =	simm.s32 $0xD100  }
0x1d: {  	v0 =	vand.u32 $0x7, v2;
	v2 =	vor.u32 $0x8, v2;
	v1 =	vmul.u32 $0x8, v1;
	[dreg:$0x12] =	wrdreg s25;
	s25 =	simm.s32 $0xA100;
	s0 =	simm.s32 $0x6  }
.LBB2_1:
0x1e: {  	s2 =	rddreg [dreg:$0x4]  }
0x1f: {  	[tilespmem:s3], [sflag:$0x1] =	stream.linear.gather [hbm4b:s2+s3], $0x20, $0x38;
	[tilespmem:$0xE100] =	vst v63  }
0x20: {  	s15 =	rddreg [dreg:$0x5]  }
0x21: {  	[tilespmem:s8], [sflag:$0x2] =	stream.linear.gather [hbm4b:s15+s3], $0x20, $0x38;
	[tilespmem:$0xE100] =	vst v63  }
0x22: {  	s2 =	rddreg [dreg:$0x6]  }
0x23: {  	[tilespmem:s9], [sflag:$0x3] =	stream.linear.gather [hbm4b:s2+s3], $0x6000, $0x38;
	[tilespmem:$0xE100] =	vst v63  }
0x24: {  	s15 =	rddreg [dreg:$0x7]  }
0x25: {  	[tilespmem:s10], [sflag:$0x4] =	stream.linear.gather [hbm4b:s15+s3], $0x6000, $0x38;
	[tilespmem:$0xE100] =	vst v63  }
0x26: {  	s2 =	rddreg [dreg:$0x8]  }
0x27: {  	[tilespmem:s11], [sflag:$0x5] =	stream.linear.gather [hbm4b:s2+s3], $0x1000, $0x38;
	[tilespmem:$0xE100] =	vst v63  }
0x28: {  	s15 =	rddreg [dreg:$0x9]  }
0x29: {  	[tilespmem:s12], [sflag:$0x6] =	stream.linear.gather [hbm4b:s15+s3], $0x1000, $0x38;
	[tilespmem:$0xE100] =	vst v63  }
0x2a: {  	_ =	swait.ge [sflag:s13], $0x20  }
0x2b: {  	[sflag:s13] =	ssyncset.done $0x0  }
0x2c: {  	[sflag:s13] =	ssyncadd.s32 $0xFFFFFFE0  }
0x2d: {  	_ =	swait.ge [sflag:s14], $0x6000  }
0x2e: {  	[sflag:s14] =	ssyncset.done $0x0  }
0x2f: {  	[sflag:s14] =	ssyncadd.s32 $0xFFFFA000  }
0x30: {  	v3 =	vld [tilespmem:$0x0];
	_ =	sdelay $0x4  }
0x31: {  	v4 =	vshrl.u32 v3, $0x3  }
0x32: {  	v4 =	vmul.u32 $0x30, v4  }
0x33: {  	v3 =	vand.u32 $0x7, v3  }
0x34: {  	v3 =	vor.u32 v3, v4  }
0x35: {  	v4 =	vperm.xlane v3, v0;
	_ =	sdelay $0x1  }
0x36: {  	v4 =	vadd.s32 v1, v4;
	_ =	sdelay $0x3  }
0x37: {  	v3 =	vperm.xlane v3, v2  }
0x38: {  	[hbm4b:s4+s3] =	stream.indirect_vreg.scatter [tilespmem:s9], [sflag:$0x3], $0x80, v4, vm0, $0xb8;
	[tilespmem:$0xE100] =	vst v63  }
0x39: {  	s2 =	rddreg [dreg:$0xa];
	v3 =	vadd.s32 v1, v3  }
0x3a: {  	[hbm4b:s5+s3] =	stream.indirect_vreg.scatter [tilespmem:s2], [sflag:$0x3], $0x80, v4, vm0, $0xb8;
	[tilespmem:$0xE100] =	vst v63  }
0x3b: {  	s15 =	rddreg [dreg:$0xb]  }
0x3c: {  	[hbm4b:s6+s3] =	stream.indirect_vreg.scatter [tilespmem:s15], [sflag:$0x3], $0x80, v4, vm0, $0xb8;
	[tilespmem:$0xE100] =	vst v63  }
0x3d: {  	s2 =	rddreg [dreg:$0xc]  }
0x3e: {  	[hbm4b:s4+s3] =	stream.indirect_vreg.scatter [tilespmem:s2], [sflag:$0x3], $0x80, v3, vm0, $0xb8;
	[tilespmem:$0xE100] =	vst v63  }
0x3f: {  	s15 =	rddreg [dreg:$0xd]  }
0x40: {  	[hbm4b:s5+s3] =	stream.indirect_vreg.scatter [tilespmem:s15], [sflag:$0x3], $0x80, v3, vm0, $0xb8;
	[tilespmem:$0xE100] =	vst v63  }
0x41: {  	s2 =	rddreg [dreg:$0xe]  }
0x42: {  	[hbm4b:s6+s3] =	stream.indirect_vreg.scatter [tilespmem:s2], [sflag:$0x3], $0x80, v3, vm0, $0xb8;
	[tilespmem:$0xE100] =	vst v63  }
0x43: {  	v3 =	vld [tilespmem:$0x10];
	_ =	sdelay $0x4  }
0x44: {  	v61 =	vshrl.u32 v3, $0x3  }
0x45: {  	v4 =	vmul.u32 $0x30, v61  }
0x46: {  	v3 =	vand.u32 $0x7, v3  }
0x47: {  	v3 =	vor.u32 v3, v4  }
0x48: {  	v4 =	vperm.xlane v3, v0;
	_ =	sdelay $0x1  }
0x49: {  	v4 =	vadd.s32 v1, v4;
	_ =	sdelay $0x3  }
0x4a: {  	s2 =	rddreg [dreg:$0xf];
	v3 =	vperm.xlane v3, v2  }
0x4b: {  	[hbm4b:s4+s3] =	stream.indirect_vreg.scatter [tilespmem:s2], [sflag:$0x3], $0x80, v4, vm0, $0xb8;
	[tilespmem:$0xE100] =	vst v63  }
0x4c: {  	s15 =	rddreg [dreg:$0x10];
	v3 =	vadd.s32 v1, v3  }
0x4d: {  	[hbm4b:s5+s3] =	stream.indirect_vreg.scatter [tilespmem:s15], [sflag:$0x3], $0x80, v4, vm0, $0xb8;
	[tilespmem:$0xE100] =	vst v63  }
0x4e: {  	s2 =	rddreg [dreg:$0x11]  }
0x4f: {  	[hbm4b:s6+s3] =	stream.indirect_vreg.scatter [tilespmem:s2], [sflag:$0x3], $0x80, v4, vm0, $0xb8;
	[tilespmem:$0xE100] =	vst v63  }
0x50: {  	s15 =	rddreg [dreg:$0x12]  }
0x51: {  	[hbm4b:s4+s3] =	stream.indirect_vreg.scatter [tilespmem:s15], [sflag:$0x3], $0x80, v3, vm0, $0xb8;
	[tilespmem:$0xE100] =	vst v63  }
0x52: {  	s2 =	rddreg [dreg:$0x13]  }
0x53: {  	[hbm4b:s5+s3] =	stream.indirect_vreg.scatter [tilespmem:s2], [sflag:$0x3], $0x80, v3, vm0, $0xb8;
	[tilespmem:$0xE100] =	vst v63  }
0x54: {  	s15 =	simm.s32 $0x5900  }
0x55: {  	[hbm4b:s6+s3] =	stream.indirect_vreg.scatter [tilespmem:s15], [sflag:$0x3], $0x80, v3, vm0, $0xb8;
	[tilespmem:$0xE100] =	vst v63  }
0x56: {  	_ =	swait.ge [sflag:s16], $0x20  }
0x57: {  	[sflag:s16] =	ssyncset.done $0x0  }
0x58: {  	[sflag:s16] =	ssyncadd.s32 $0xFFFFFFE0  }
0x59: {  	_ =	swait.ge [sflag:s17], $0x6000  }
0x5a: {  	[sflag:s17] =	ssyncset.done $0x0  }
0x5b: {  	[sflag:s17] =	ssyncadd.s32 $0xFFFFA000  }
0x5c: {  	v3 =	vld [tilespmem:$0x80];
	_ =	sdelay $0x4  }
0x5d: {  	v62 =	vshrl.u32 v3, $0x3  }
0x5e: {  	v4 =	vmul.u32 $0x30, v62  }
0x5f: {  	v3 =	vand.u32 $0x7, v3  }
0x60: {  	v3 =	vor.u32 v3, v4  }
0x61: {  	v4 =	vperm.xlane v3, v0;
	_ =	sdelay $0x1  }
0x62: {  	v4 =	vadd.s32 v1, v4;
	_ =	sdelay $0x3  }
0x63: {  	v3 =	vperm.xlane v3, v2  }
0x64: {  	[hbm4b:s4+s3] =	stream.indirect_vreg.scatter [tilespmem:s10], [sflag:$0x4], $0x80, v4, vm0, $0xb8;
	[tilespmem:$0xE100] =	vst v63  }
0x65: {  	v3 =	vadd.s32 v1, v3  }
0x66: {  	[hbm4b:s5+s3] =	stream.indirect_vreg.scatter [tilespmem:s18], [sflag:$0x4], $0x80, v4, vm0, $0xb8;
	[tilespmem:$0xE100] =	vst v63  }
0x67: {  	_ = 	snop  }
0x68: {  	[hbm4b:s6+s3] =	stream.indirect_vreg.scatter [tilespmem:s19], [sflag:$0x4], $0x80, v4, vm0, $0xb8;
	[tilespmem:$0xE100] =	vst v63  }
0x69: {  	_ = 	snop  }
0x6a: {  	[hbm4b:s4+s3] =	stream.indirect_vreg.scatter [tilespmem:s20], [sflag:$0x4], $0x80, v3, vm0, $0xb8;
	[tilespmem:$0xE100] =	vst v63  }
0x6b: {  	_ = 	snop  }
0x6c: {  	[hbm4b:s5+s3] =	stream.indirect_vreg.scatter [tilespmem:s21], [sflag:$0x4], $0x80, v3, vm0, $0xb8;
	[tilespmem:$0xE100] =	vst v63  }
0x6d: {  	_ = 	snop  }
0x6e: {  	[hbm4b:s6+s3] =	stream.indirect_vreg.scatter [tilespmem:s22], [sflag:$0x4], $0x80, v3, vm0, $0xb8;
	[tilespmem:$0xE100] =	vst v63  }
0x6f: {  	v3 =	vld [tilespmem:$0x90];
	_ =	sdelay $0x4  }
0x70: {  	v63 =	vshrl.u32 v3, $0x3  }
0x71: {  	v4 =	vmul.u32 $0x30, v63  }
0x72: {  	v3 =	vand.u32 $0x7, v3  }
0x73: {  	v3 =	vor.u32 v3, v4  }
0x74: {  	v4 =	vperm.xlane v3, v0;
	_ =	sdelay $0x1  }
0x75: {  	v4 =	vadd.s32 v1, v4;
	_ =	sdelay $0x3  }
0x76: {  	v3 =	vperm.xlane v3, v2  }
0x77: {  	[hbm4b:s4+s3] =	stream.indirect_vreg.scatter [tilespmem:s23], [sflag:$0x4], $0x80, v4, vm0, $0xb8;
	[tilespmem:$0xE100] =	vst v63  }
0x78: {  	v3 =	vadd.s32 v1, v3  }
0x79: {  	[hbm4b:s5+s3] =	stream.indirect_vreg.scatter [tilespmem:s24], [sflag:$0x4], $0x80, v4, vm0, $0xb8;
	[tilespmem:$0xE100] =	vst v63  }
0x7a: {  	_ = 	snop  }
0x7b: {  	[hbm4b:s6+s3] =	stream.indirect_vreg.scatter [tilespmem:s25], [sflag:$0x4], $0x80, v4, vm0, $0xb8;
	[tilespmem:$0xE100] =	vst v63  }
0x7c: {  	_ = 	snop  }
0x7d: {  	[hbm4b:s4+s3] =	stream.indirect_vreg.scatter [tilespmem:s26], [sflag:$0x4], $0x80, v3, vm0, $0xb8;
	[tilespmem:$0xE100] =	vst v63  }
0x7e: {  	_ = 	snop  }
0x7f: {  	[hbm4b:s5+s3] =	stream.indirect_vreg.scatter [tilespmem:s28], [sflag:$0x4], $0x80, v3, vm0, $0xb8;
	[tilespmem:$0xE100] =	vst v63  }
0x80: {  	_ = 	snop  }
0x81: {  	[hbm4b:s6+s3] =	stream.indirect_vreg.scatter [tilespmem:s29], [sflag:$0x4], $0x80, v3, vm0, $0xb8;
	[tilespmem:$0xE100] =	vst v63  }
0x82: {  	_ =	swait.ge [sflag:s30], $0x1000  }
0x83: {  	[sflag:s30] =	ssyncset.done $0x0  }
0x84: {  	[sflag:s30] =	ssyncadd.s32 $0xFFFFF000  }
0x85: {  	[hbm4b:s1+s31] =	stream.indirect.scatter [tilespmem:s11], [sflag:$0x5], $0x80, s3, s31, $0xb8;
	[tilespmem:$0xE100] =	vst v63  }
0x86: {  	_ =	swait.ge [sflag:s0], $0x1000  }
0x87: {  	[sflag:s0] =	ssyncset.done $0x0  }
0x88: {  	[sflag:s0] =	ssyncadd.s32 $0xFFFFF000  }
0x89: {  	[hbm4b:s1+s31] =	stream.indirect.scatter [tilespmem:s12], [sflag:$0x6], $0x80, s8, s31, $0xb8;
	[tilespmem:$0xE100] =	vst v63  }
0x8a: {  	_ =	swait.ge [sflag:s14], $0x6000  }
0x8b: {  	[sflag:s14] =	ssyncset.done $0x0  }
0x8c: {  	[sflag:s14] =	ssyncadd.s32 $0xFFFFA000  }
0x8d: {  	_ =	swait.ge [sflag:s17], $0x6000  }
0x8e: {  	[sflag:s17] =	ssyncset.done $0x0  }
0x8f: {  	[sflag:s17] =	ssyncadd.s32 $0xFFFFA000  }
0x90: {  	p0 =	sne.s32 s7, $0x1;
	_ =	swait.ge [sflag:s30], $0x1000  }
.Ltmp0:
0x91: {  	[sflag:s30] =	ssyncset.done $0x0;
	(pc) =	sbr.rel @p0 .LBB2_1-.Ltmp0, $4  }
0x92: {  	[sflag:s30] =	ssyncadd.s32 $0xFFFFF000  }
0x93: {  	_ =	swait.ge [sflag:s0], $0x1000  }
0x94: {  	[sflag:s0] =	ssyncset.done $0x0  }
0x95: {  	s7 =	sadd.s32 $0xFFFFFFFF, s7;
	[sflag:s0] =	ssyncadd.s32 $0xFFFFF000  }
0x96: {  	_ =	sfence.sel $0x180000  }
0x97: {  	[bflag:$0x0] =	sbarrier.arrive $0xFFFF  }
0x98: {  	_ =	strace $0x90000047  }
0x99: {  	s0 =	stileid.u32;
	[bflag:$0x2] =	sbarrier.arrive $0xFFFF  }
0x9a: {  	p0 =	sne.s32 s0, $0x0;
	s0 =	rddreg [dreg:$0x3]  }
0x9b: {  	s0 =	sadd.s32 @!p0 $0x100000, s0  }
0x9c: {  	[sflag:s0] =	ssyncadd.tile.s32 @!p0 $0x1;
	_ =	shalt  }
.Lfunc_end2:
_tile_overlayer_lowered:
.L_overlay_start_2:
0x9d: {  	(tag) =	ssettag $0x2  }
0x9e: {  	s0 =	rddreg [dreg:$0x0];
	s2 =	stileid.u32  }
0x9f: {  	s1 =	rddreg [dreg:$0x1];
	p0 =	sne.s32 s2, $0x0  }
0xa0: {  	s3 =	rddreg [dreg:$0x2];
	[bflag:$0x3] =	sbarrier.arrive $0xFFFF;
	s2 =	simm.s32 @!p0 $0x1C07  }
0xa1: {  	[timem:s3], [sflag:s2] =	dma.local @!p0 [hbm:s0], s1  }
0xa2: {  	s0 =	simm.s32 @!p0 $0x7  }
0xa3: {  	_ =	swait.ge @!p0 [sflag:s0], s1  }
0xa4: {  	s1 =	ssub.s32 @!p0 $0x0, s1;
	[sflag:s0] =	ssyncset.done @!p0 $0x0  }
0xa5: {  	[sflag:s0] =	ssyncadd.s32 @!p0 s1  }
0xa6: {  	[bflag:$0x3] =	sbarrier.arrive $0xFFFF  }
0xa7: {  	_ =	shalt  }

// kernel: kernel.9.cloned.1.call-start
scs
__scs_entry_jumppad:
0x0: {  	(pc) =	sbr.rel $0x88, $3  }
0x1: {  	(tag) =	ssettag $0x0;
	lr =	simm.s32 $0x1  }
0x2: {  	[smem:$0x3F99] =	sst lr;
	_ =	strace $0xD0000000  }
0x3: {  	_ = 	snop  }
0x4: {  	_ = 	snop  }
0x5: {  	_ = 	snop  }
0x6: {  	_ = 	snop  }
0x7: {  	_ = 	snop  }
__scs_overlays_trampoline_lowered:
0x8: {  	[smem:$0x3FA8] =	sst s0  }
0x9: {  	[smem:$0x3FA9] =	sst s1  }
0xa: {  	[smem:$0x3FAA] =	sst s2  }
0xb: {  	[smem:$0x3FAB] =	sst s3  }
0xc: {  	[smem:$0x3FAC] =	sst s4  }
0xd: {  	[smem:$0x3FAD] =	sst s5  }
0xe: {  	[smem:$0x3FAE] =	sst s6  }
0xf: {  	[smem:$0x3FAF] =	sst s7  }
0x10: {  	[smem:$0x3FB0] =	sst s8  }
0x11: {  	[smem:$0x3FB1] =	sst s9;
	s0 =	simm.s32 @!p0 $0x0  }
0x12: {  	s1 =	sld [smem:$0x3F97];
	s0 =	simm.s32 @p0 $0x1  }
0x13: {  	[smem:$0x3FB2] =	sst s0;
	s0 =	simm.s32 @!p1 $0x0  }
0x14: {  	s2 =	sld [smem:$0x3F96];
	s0 =	simm.s32 @p1 $0x1  }
0x15: {  	[smem:$0x3FB3] =	sst s0;
	s0 =	simm.s32 @!p2 $0x0  }
0x16: {  	s3 =	sld [smem:$0x3FDB];
	s0 =	simm.s32 @p2 $0x1  }
0x17: {  	s4 =	simm.s32 $0x1BF5;
	[smem:$0x3FB5] =	sst s0  }
0x18: {  	s0 =	sld [smem:$0x3F98];
	_ =	swait.ge [sflag:s4], $0x0  }
0x19: {  	s7 =	sld [smem:$0x3F99]  }
0x1a: {  	s8 =	sadd.s32 $0xFFFFE003, lr  }
0x1b: {  	s9 =	sadd.s32 $0xFFFFFEF7, lr;
	s5 =	simm.s32 $0xFFFFFFFF;
	p2 =	slt.u32 s8, $0xFFFFF086  }
0x1c: {  	p1 =	slt.u32 s9, $0xF7A;
	s5 =	simm.s32 @!p2 $0x0  }
0x1d: {  	s5 =	simm.s32 @p1 $0x1;
	p0 =	seq.s32 s7, s2  }
0x1e: {  	s7 =	smul.u32 @!p0 $0xF7A, s2;
	p2 =	seq.s32 @!p0 s5, $0x0  }
0x1f: {  	s9 =	smul.u32 $0xF7A, s1;
	s8 =	simm.s32 @!p0 $0x1BF5;
	p2 =	por !p2, p0  }
0x20: {  	[sflag:s8] =	ssyncset.s32 @!p0 $0xFFFFF086;
	s6 =	sadd.s32 @!p0 s3, s7;
	s7 =	simm.s32 @!p0 $0x108  }
0x21: {  	s3 =	sadd.s32 s3, s9;
	s6 =	sadd.s32 @!p0 $0x88, s6;
	s7 =	simm.s32 @p2 $0x1082  }
0x22: {  	[simem:s7], [sflag:s8] =	dma.local @!p0 [hbm:s6], $0xF7A  }
0x23: {  	s9 =	sor.u32 $0xD0000000, s2;
	s6 =	simm.s32 $0x108;
	_ =	swait.ge @!p0 [sflag:s8], $0x0  }
0x24: {  	s3 =	sadd.s32 $0x88, s3;
	s6 =	simm.s32 @!p1 $0x1082;
	[sflag:s4] =	ssyncset.s32 $0xFFFFF086  }
0x25: {  	[simem:s6], [sflag:s4] =	dma.local [hbm:s3], $0xF7A  }
0x26: {  	[smem:$0x3F99] =	sst s1;
	(tag) =	ssettag s2;
	_ =	strace s9  }
0x27: {  	s1 =	sld [smem:$0x3FA9]  }
0x28: {  	s2 =	sld [smem:$0x3FAA]  }
0x29: {  	s4 =	sld [smem:$0x3FAC]  }
0x2a: {  	p0 =	seq.s32 s5, $0x0;
	s5 =	sld [smem:$0x3FAD]  }
0x2b: {  	s6 =	sld [smem:$0x3FAE]  }
0x2c: {  	s7 =	sld [smem:$0x3FAF]  }
0x2d: {  	s3 =	simm.s32 $0x108;
	s8 =	sld [smem:$0x3FB0]  }
0x2e: {  	s3 =	simm.s32 @!p0 $0x1082;
	s9 =	sld [smem:$0x3FB1]  }
0x2f: {  	lr =	sadd.s32 s0, s3;
	s0 =	sld [smem:$0x3FA8]  }
0x30: {  	s3 =	sld [smem:$0x3FAB]  }
0x31: {  	[smem:$0x3FB4] =	sst s10  }
0x32: {  	s10 =	sld [smem:$0x3FB2];
	_ =	sdelay $0x3  }
0x33: {  	p0 =	seq.s32 s10, $0x1;
	s10 =	sld [smem:$0x3FB4];
	_ =	sdelay $0x3  }
0x34: {  	[smem:$0x3FB4] =	sst s10  }
0x35: {  	s10 =	sld [smem:$0x3FB3];
	_ =	sdelay $0x3  }
0x36: {  	p1 =	seq.s32 s10, $0x1;
	s10 =	sld [smem:$0x3FB4];
	_ =	sdelay $0x3  }
0x37: {  	[smem:$0x3FB4] =	sst s10  }
0x38: {  	s10 =	sld [smem:$0x3FB5]  }
0x39: {  	_ = 	snop;
	(pc) =	sbr.ind lr, $3  }
0x3a: {  	_ = 	snop  }
0x3b: {  	_ = 	snop  }
0x3c: {  	p2 =	seq.s32 s10, $0x1;
	s10 =	sld [smem:$0x3FB4]  }
0x3d: {  	_ =	shalt  }
0x3e: {  	_ =	shalt  }
0x3f: {  	_ =	shalt  }
0x40: {  	_ =	shalt  }
0x41: {  	_ =	shalt  }
0x42: {  	_ =	shalt  }
0x43: {  	_ =	shalt  }
0x44: {  	_ =	shalt  }
0x45: {  	_ =	shalt  }
0x46: {  	_ =	shalt  }
0x47: {  	_ =	shalt  }
0x48: {  	_ =	shalt  }
0x49: {  	_ =	shalt  }
0x4a: {  	_ =	shalt  }
0x4b: {  	_ =	shalt  }
0x4c: {  	_ =	shalt  }
0x4d: {  	_ =	shalt  }
0x4e: {  	_ =	shalt  }
0x4f: {  	_ =	shalt  }
0x50: {  	_ =	shalt  }
0x51: {  	_ =	shalt  }
0x52: {  	_ =	shalt  }
0x53: {  	_ =	shalt  }
0x54: {  	_ =	shalt  }
0x55: {  	_ =	shalt  }
0x56: {  	_ =	shalt  }
0x57: {  	_ =	shalt  }
0x58: {  	_ =	shalt  }
0x59: {  	_ =	shalt  }
0x5a: {  	_ =	shalt  }
0x5b: {  	_ =	shalt  }
0x5c: {  	_ =	shalt  }
0x5d: {  	_ =	shalt  }
0x5e: {  	_ =	shalt  }
0x5f: {  	_ =	shalt  }
0x60: {  	_ =	shalt  }
0x61: {  	_ =	shalt  }
0x62: {  	_ =	shalt  }
0x63: {  	_ =	shalt  }
0x64: {  	_ =	shalt  }
0x65: {  	_ =	shalt  }
0x66: {  	_ =	shalt  }
0x67: {  	_ =	shalt  }
0x68: {  	_ =	shalt  }
0x69: {  	_ =	shalt  }
0x6a: {  	_ =	shalt  }
0x6b: {  	_ =	shalt  }
0x6c: {  	_ =	shalt  }
0x6d: {  	_ =	shalt  }
0x6e: {  	_ =	shalt  }
0x6f: {  	_ =	shalt  }
0x70: {  	_ =	shalt  }
0x71: {  	_ =	shalt  }
0x72: {  	_ =	shalt  }
0x73: {  	_ =	shalt  }
0x74: {  	_ =	shalt  }
0x75: {  	_ =	shalt  }
0x76: {  	_ =	shalt  }
0x77: {  	_ =	shalt  }
0x78: {  	_ =	shalt  }
0x79: {  	_ =	shalt  }
0x7a: {  	_ =	shalt  }
0x7b: {  	_ =	shalt  }
0x7c: {  	_ =	shalt  }
0x7d: {  	_ =	shalt  }
0x7e: {  	_ =	shalt  }
0x7f: {  	_ =	shalt  }
0x80: {  	_ =	shalt  }
0x81: {  	_ =	shalt  }
0x82: {  	_ =	shalt  }
0x83: {  	_ =	shalt  }
0x84: {  	_ =	shalt  }
0x85: {  	_ =	shalt  }
0x86: {  	_ =	shalt  }
0x87: {  	_ =	shalt  }
.Lfunc_end0:
.L_simem_size_0:
called_computation.1_lowered:
.L_overlay_start_0:
0x88: {  	s2 =	sld [smem:$0x3FD9]  }
0x89: {  	s3 =	sld [smem:$0x3FFE];
	_ =	sdelay $0x1  }
0x8a: {  	s1 =	srdreg.scid  }
0x8b: {  	s0 =	sand.u32 $0x1, s1  }
0x8c: {  	s17 =	sshll.u32 s0, $0xA;
	s2 =	sadd.s32 s3, s2  }
0x8d: {  	s2 =	sadd.s32 s2, s17  }
0x8e: {  	[smem:$0x3FC0] =	sst s2  }
0x8f: {  	_ = 	snop  }
0x90: {  	s2 =	sld [smem:$0x3FD0];
	(tm) =	ssettm $0x1  }
0x91: {  	s18 =	sld [smem:$0x3FFB];
	_ =	sdelay $0x3  }
0x92: {  	_ =	strace s18  }
0x93: {  	s3 =	sld [smem:$0x3FFC];
	_ =	sdelay $0x3  }
0x94: {  	_ =	strace s3  }
0x95: {  	s3 =	sld [smem:$0x3FFD];
	_ =	sdelay $0x3  }
0x96: {  	_ =	strace s3  }
0x97: {  	_ =	strace $0x8FFFFFFF  }
0x98: {  	s19 =	sld [smem:$0x3FDB];
	_ =	sdelay $0x1  }
0x99: {  	s4 =	simm.s32 $_scs_section_size  }
0x9a: {  	s5 =	simm.s32 $_size__tile_overlayer_lowered;
	s6 =	simm.s32 $_tile_overlayer_lowered  }
0x9b: {  	s22 =	simm.s32 $0x1BFF;
	s21 =	sshll.u32 s6, $0x1;
	s3 =	sadd.s32 s4, s19  }
0x9c: {  	s7 =	simm.s32 $0x0;
	s20 =	sshll.u32 s5, $0x1;
	s5 =	sadd.s32 s21, s3  }
0x9d: {  	[timem:s7], [sflag:s22] =	dma.local [hbm:s5], s20  }
0x9e: {  	_ =	swait.ge [sflag:s22], s20  }
0x9f: {  	s4 =	ssub.s32 $0x0, s20;
	[sflag:s22] =	ssyncset.done $0x0  }
0xa0: {  	[sflag:s22] =	ssyncadd.s32 s4;
	_ =	sdelay $0x1  }
0xa1: {  	s23 =	simm.s32 $0x1B8B  }
0xa2: {  	_ =	swait.ge [sflag:s23], $0x1  }
0xa3: {  	[sflag:s23] =	ssyncset.done $0x0  }
0xa4: {  	s25 =	simm.s32 $0x1B8E;
	s24 =	sld [smem:$0x3FFE];
	[sflag:s23] =	ssyncadd.s32 $0xFFFFFFFF  }
0xa5: {  	s26 =	simm.s32 $execute0_lowered;
	[smem:$0x3FD2] =	sst s25  }
0xa6: {  	s5 =	sshll.u32 s26, $0x1;
	_ =	strace $0x80000049;
	[dreg:$0x1] =	wrdreg $0xFFFFFFFF  }
0xa7: {  	s28 =	simm.s32 $_size_execute0_lowered;
	s3 =	sadd.s32 s3, s5;
	[dreg:$0x0] =	wrdreg $0x0  }
0xa8: {  	s5 =	sshll.u32 s28, $0x1;
	[dreg:$0x2] =	wrdreg s3  }
0xa9: {  	[dreg:$0x3] =	wrdreg s5  }
0xaa: {  	[dreg:$0x4] =	wrdreg $0xC0  }
0xab: {  	_ =	task [dreg:s7], $0x5FFFF  }
0xac: {  	[dreg:$0x1] =	wrdreg $0xFFFFFFFF  }
0xad: {  	[dreg:$0x0] =	wrdreg $0x60  }
0xae: {  	[dreg:$0x2] =	wrdreg s24  }
0xaf: {  	[dreg:$0x3] =	wrdreg s2  }
0xb0: {  	[dreg:$0x4] =	wrdreg $0x9  }
0xb1: {  	_ =	task.clear_ibuf [dreg:s7], $0x5FFFF;
	_ =	strace $0x90000049  }
0xb2: {  	s29 =	simm.s32 $0x9;
	_ =	strace $0x8000004B  }
0xb3: {  	_ =	swait.ge [sflag:s29], $0x1  }
0xb4: {  	[sflag:s29] =	ssyncadd.s32 $0xFFFFFFFF  }
0xb5: {  	_ =	strace $0x9000004B  }
0xb6: {  	_ =	sfence  }
0xb7: {  	s30 =	sld [smem:$0x0];
	_ =	sdelay $0x2  }
0xb8: {  	s31 =	sshll.u32 s1, $0xD;
	s1 =	sshrl.u32 s1, $0x2  }
0xb9: {  	s3 =	sand.u32 $0x4000, s31;
	s1 =	sadd.s32 s1, s30  }
0xba: {  	s0 =	sor.u32 s3, s0;
	s1 =	sshll.u32 s1, $0x11  }
0xbb: {  	s0 =	sor.u32 s1, s0  }
0xbc: {  	s0 =	sadd.s32 $0x8F2B, s0  }
0xbd: {  	[sflag:s0] =	ssyncadd.remote.s32 $0x1  }
0xbe: {  	_ =	sfence.sel $0xFFFF  }
0xbf: {  	[dreg:$0x0] =	wrdreg $0xFFFFFFFF;
	(pc) =	sbr.abs _section_cstart, $3  }
0xc0: {  	[dreg:$0x1] =	wrdreg $0xFFFFFFFF  }
0xc1: {  	_ =	task.clear_ibuf [dreg:s7], $0x2FFFF;
	_ =	strace $0x9FFFFFFF  }
0xc2: {  	(tm) =	ssettm $0x7FFFFFFF  }
0xc3: {  	_ =	shalt  }
tec
execute0_lowered:
.L_overlay_start_1:
0x0: {  	(tag) =	ssettag $0x1  }
0x1: {  	s0 =	rddreg [dreg:$0x0]  }
0x2: {  	s5 =	rddreg [dreg:$0x1];
	s1 =	simm.s32 $0x0;
	s3 =	srdreg.scid  }
0x3: {  	s2 =	stileid.u32;
	s23 =	simm.s32 $0x80;
	s24 =	simm.s32 $0x900  }
0x4: {  	s25 =	simm.s32 $0x1100;
	s26 =	simm.s32 $0x1900;
	s11 =	simm.s32 $0x3100  }
0x5: {  	s12 =	simm.s32 $0x3900;
	s13 =	simm.s32 $0x4100;
	s14 =	simm.s32 $0x4900  }
0x6: {  	s15 =	simm.s32 $0x5100;
	s16 =	simm.s32 $0x5900;
	s17 =	simm.s32 $0x2  }
0x7: {  	s18 =	simm.s32 $0x6100;
	s19 =	simm.s32 $0x6900;
	s20 =	simm.s32 $0x7100  }
0x8: {  	s28 =	simm.s32 $0xA900;
	s29 =	simm.s32 $0xB100;
	s30 =	simm.s32 $0xB900  }
0x9: {  	s31 =	simm.s32 $0x3;
	[smem:$0x7FF] =	sst s1;
	s4 =	sadd.s32 $0x8400, s0  }
0xa: {  	s3 =	sand.u32 $0x1, s3;
	_ =	strace $0x8000004A;
	[dreg:$0x7] =	wrdreg s23  }
0xb: {  	s7 =	sshll.u32 s2, $0x4;
	s6 =	ssub.s32 $0x2, s3;
	[dreg:$0x8] =	wrdreg s24  }
0xc: {  	s8 =	sshll.u32 s3, $0x3;
	s3 =	sadd.s32 $0x98A00, s0;
	[dreg:$0x9] =	wrdreg s25  }
0xd: {  	[dreg:$0xa] =	wrdreg s26;
	s23 =	simm.s32 $0x8900;
	s24 =	simm.s32 $0x9100  }
0xe: {  	s25 =	simm.s32 $0x9900;
	s26 =	simm.s32 $0xA100;
	s7 =	sor.u32 s8, s7  }
0xf: {  	s9 =	sshrl.u32 s6, $0x1;
	s8 =	sadd.s32 s4, s7;
	s10 =	sor.u32 $0x4, s7  }
0x10: {  	s7 =	smul.u32 $0x300, s7;
	s6 =	ssub.s32 s6, s9;
	[dreg:$0x3] =	wrdreg s8  }
0x11: {  	s4 =	sadd.s32 s4, s10;
	s21 =	smul.u32 $0x300, s10;
	s6 =	smax.u32 s6, $0x1  }
0x12: {  	s8 =	simm.s32 $0x100;
	[dreg:$0x4] =	wrdreg s4;
	s7 =	sadd.s32 s5, s7  }
0x13: {  	v2 =	vlaneseq.u32;
	s4 =	sadd.s32 $0x98B00, s0;
	[dreg:$0x5] =	wrdreg s7;
	s22 =	sadd.s32 s5, s21  }
0x14: {  	vm0 =	vmmov $0xffff;
	v1 =	vshrl.u32 v2, $0x3;
	s5 =	sadd.s32 $0x98C00, s0;
	s7 =	simm.s32 $0x1;
	s21 =	simm.s32 $0x7900  }
0x15: {  	v0 =	vand.u32 $0x7, v2;
	v2 =	vor.u32 $0x8, v2;
	v1 =	vmul.u32 $0x8, v1;
	s0 =	simm.s32 $0x4;
	[dreg:$0x6] =	wrdreg s22;
	s22 =	simm.s32 $0x8100  }
.LBB2_1:
0x16: {  	s2 =	rddreg [dreg:$0x3]  }
0x17: {  	s9 =	rddreg [dreg:$0x4]  }
0x18: {  	[tilespmem:s1], [sflag:$0x1] =	stream.linear.gather [hbm4b:s2+s1], $0x20, $0x38;
	[tilespmem:$0xC100] =	vst v63  }
0x19: {  	s10 =	rddreg [dreg:$0x7]  }
0x1a: {  	[tilespmem:s10], [sflag:$0x2] =	stream.linear.gather [hbm4b:s9+s1], $0x20, $0x38;
	[tilespmem:$0xC100] =	vst v63  }
0x1b: {  	_ =	swait.ge [sflag:s7], $0x20  }
0x1c: {  	[sflag:s7] =	ssyncset.done $0x0  }
0x1d: {  	[sflag:s7] =	ssyncadd.s32 $0xFFFFFFE0  }
0x1e: {  	v3 =	vld [tilespmem:$0x0];
	_ =	sdelay $0x4  }
0x1f: {  	v4 =	vshrl.u32 v3, $0x3  }
0x20: {  	v4 =	vmul.u32 $0x30, v4  }
0x21: {  	v3 =	vand.u32 $0x7, v3  }
0x22: {  	v3 =	vor.u32 v3, v4  }
0x23: {  	v4 =	vperm.xlane v3, v0;
	_ =	sdelay $0x1  }
0x24: {  	v4 =	vadd.s32 v1, v4;
	_ =	sdelay $0x3  }
0x25: {  	v3 =	vperm.xlane v3, v2  }
0x26: {  	[tilespmem:s8], [sflag:$0x3] =	stream.indirect_vreg.gather [hbm4b:s3+s1], $0x80, v4, vm0, $0xb8;
	[tilespmem:$0xC100] =	vst v63  }
0x27: {  	s10 =	rddreg [dreg:$0x8];
	v3 =	vadd.s32 v1, v3  }
0x28: {  	[tilespmem:s10], [sflag:$0x3] =	stream.indirect_vreg.gather [hbm4b:s4+s1], $0x80, v4, vm0, $0xb8;
	[tilespmem:$0xC100] =	vst v63  }
0x29: {  	s9 =	rddreg [dreg:$0x9]  }
0x2a: {  	[tilespmem:s9], [sflag:$0x3] =	stream.indirect_vreg.gather [hbm4b:s5+s1], $0x80, v4, vm0, $0xb8;
	[tilespmem:$0xC100] =	vst v63  }
0x2b: {  	s10 =	rddreg [dreg:$0xa]  }
0x2c: {  	[tilespmem:s10], [sflag:$0x3] =	stream.indirect_vreg.gather [hbm4b:s3+s1], $0x80, v3, vm0, $0xb8;
	[tilespmem:$0xC100] =	vst v63  }
0x2d: {  	s9 =	simm.s32 $0x2100  }
0x2e: {  	[tilespmem:s9], [sflag:$0x3] =	stream.indirect_vreg.gather [hbm4b:s4+s1], $0x80, v3, vm0, $0xb8;
	[tilespmem:$0xC100] =	vst v63  }
0x2f: {  	s10 =	simm.s32 $0x2900  }
0x30: {  	[tilespmem:s10], [sflag:$0x3] =	stream.indirect_vreg.gather [hbm4b:s5+s1], $0x80, v3, vm0, $0xb8;
	[tilespmem:$0xC100] =	vst v63  }
0x31: {  	v3 =	vld [tilespmem:$0x10];
	_ =	sdelay $0x4  }
0x32: {  	v61 =	vshrl.u32 v3, $0x3  }
0x33: {  	v4 =	vmul.u32 $0x30, v61  }
0x34: {  	v3 =	vand.u32 $0x7, v3  }
0x35: {  	v3 =	vor.u32 v3, v4  }
0x36: {  	v4 =	vperm.xlane v3, v0;
	_ =	sdelay $0x1  }
0x37: {  	v4 =	vadd.s32 v1, v4;
	_ =	sdelay $0x3  }
0x38: {  	v3 =	vperm.xlane v3, v2  }
0x39: {  	[tilespmem:s11], [sflag:$0x3] =	stream.indirect_vreg.gather [hbm4b:s3+s1], $0x80, v4, vm0, $0xb8;
	[tilespmem:$0xC100] =	vst v63  }
0x3a: {  	v3 =	vadd.s32 v1, v3  }
0x3b: {  	[tilespmem:s12], [sflag:$0x3] =	stream.indirect_vreg.gather [hbm4b:s4+s1], $0x80, v4, vm0, $0xb8;
	[tilespmem:$0xC100] =	vst v63  }
0x3c: {  	_ = 	snop  }
0x3d: {  	[tilespmem:s13], [sflag:$0x3] =	stream.indirect_vreg.gather [hbm4b:s5+s1], $0x80, v4, vm0, $0xb8;
	[tilespmem:$0xC100] =	vst v63  }
0x3e: {  	_ = 	snop  }
0x3f: {  	[tilespmem:s14], [sflag:$0x3] =	stream.indirect_vreg.gather [hbm4b:s3+s1], $0x80, v3, vm0, $0xb8;
	[tilespmem:$0xC100] =	vst v63  }
0x40: {  	_ = 	snop  }
0x41: {  	[tilespmem:s15], [sflag:$0x3] =	stream.indirect_vreg.gather [hbm4b:s4+s1], $0x80, v3, vm0, $0xb8;
	[tilespmem:$0xC100] =	vst v63  }
0x42: {  	_ = 	snop  }
0x43: {  	[tilespmem:s16], [sflag:$0x3] =	stream.indirect_vreg.gather [hbm4b:s5+s1], $0x80, v3, vm0, $0xb8;
	[tilespmem:$0xC100] =	vst v63  }
0x44: {  	_ =	swait.ge [sflag:s17], $0x20  }
0x45: {  	[sflag:s17] =	ssyncset.done $0x0  }
0x46: {  	[sflag:s17] =	ssyncadd.s32 $0xFFFFFFE0  }
0x47: {  	v3 =	vld [tilespmem:$0x80];
	_ =	sdelay $0x4  }
0x48: {  	v62 =	vshrl.u32 v3, $0x3  }
0x49: {  	v4 =	vmul.u32 $0x30, v62  }
0x4a: {  	v3 =	vand.u32 $0x7, v3  }
0x4b: {  	v3 =	vor.u32 v3, v4  }
0x4c: {  	v4 =	vperm.xlane v3, v0;
	_ =	sdelay $0x1  }
0x4d: {  	v4 =	vadd.s32 v1, v4;
	_ =	sdelay $0x3  }
0x4e: {  	v3 =	vperm.xlane v3, v2  }
0x4f: {  	[tilespmem:s18], [sflag:$0x4] =	stream.indirect_vreg.gather [hbm4b:s3+s1], $0x80, v4, vm0, $0xb8;
	[tilespmem:$0xC100] =	vst v63  }
0x50: {  	v3 =	vadd.s32 v1, v3  }
0x51: {  	[tilespmem:s19], [sflag:$0x4] =	stream.indirect_vreg.gather [hbm4b:s4+s1], $0x80, v4, vm0, $0xb8;
	[tilespmem:$0xC100] =	vst v63  }
0x52: {  	_ = 	snop  }
0x53: {  	[tilespmem:s20], [sflag:$0x4] =	stream.indirect_vreg.gather [hbm4b:s5+s1], $0x80, v4, vm0, $0xb8;
	[tilespmem:$0xC100] =	vst v63  }
0x54: {  	_ = 	snop  }
0x55: {  	[tilespmem:s21], [sflag:$0x4] =	stream.indirect_vreg.gather [hbm4b:s3+s1], $0x80, v3, vm0, $0xb8;
	[tilespmem:$0xC100] =	vst v63  }
0x56: {  	_ = 	snop  }
0x57: {  	[tilespmem:s22], [sflag:$0x4] =	stream.indirect_vreg.gather [hbm4b:s4+s1], $0x80, v3, vm0, $0xb8;
	[tilespmem:$0xC100] =	vst v63  }
0x58: {  	_ = 	snop  }
0x59: {  	[tilespmem:s23], [sflag:$0x4] =	stream.indirect_vreg.gather [hbm4b:s5+s1], $0x80, v3, vm0, $0xb8;
	[tilespmem:$0xC100] =	vst v63  }
0x5a: {  	v3 =	vld [tilespmem:$0x90];
	_ =	sdelay $0x4  }
0x5b: {  	v63 =	vshrl.u32 v3, $0x3  }
0x5c: {  	v4 =	vmul.u32 $0x30, v63  }
0x5d: {  	v3 =	vand.u32 $0x7, v3  }
0x5e: {  	v3 =	vor.u32 v3, v4  }
0x5f: {  	v4 =	vperm.xlane v3, v0;
	_ =	sdelay $0x1  }
0x60: {  	v4 =	vadd.s32 v1, v4;
	_ =	sdelay $0x3  }
0x61: {  	v3 =	vperm.xlane v3, v2  }
0x62: {  	[tilespmem:s24], [sflag:$0x4] =	stream.indirect_vreg.gather [hbm4b:s3+s1], $0x80, v4, vm0, $0xb8;
	[tilespmem:$0xC100] =	vst v63  }
0x63: {  	v3 =	vadd.s32 v1, v3  }
0x64: {  	[tilespmem:s25], [sflag:$0x4] =	stream.indirect_vreg.gather [hbm4b:s4+s1], $0x80, v4, vm0, $0xb8;
	[tilespmem:$0xC100] =	vst v63  }
0x65: {  	_ = 	snop  }
0x66: {  	[tilespmem:s26], [sflag:$0x4] =	stream.indirect_vreg.gather [hbm4b:s5+s1], $0x80, v4, vm0, $0xb8;
	[tilespmem:$0xC100] =	vst v63  }
0x67: {  	_ = 	snop  }
0x68: {  	[tilespmem:s28], [sflag:$0x4] =	stream.indirect_vreg.gather [hbm4b:s3+s1], $0x80, v3, vm0, $0xb8;
	[tilespmem:$0xC100] =	vst v63  }
0x69: {  	_ = 	snop  }
0x6a: {  	[tilespmem:s29], [sflag:$0x4] =	stream.indirect_vreg.gather [hbm4b:s4+s1], $0x80, v3, vm0, $0xb8;
	[tilespmem:$0xC100] =	vst v63  }
0x6b: {  	_ = 	snop  }
0x6c: {  	[tilespmem:s30], [sflag:$0x4] =	stream.indirect_vreg.gather [hbm4b:s5+s1], $0x80, v3, vm0, $0xb8;
	[tilespmem:$0xC100] =	vst v63  }
0x6d: {  	_ =	swait.ge [sflag:s31], $0x6000  }
0x6e: {  	[sflag:s31] =	ssyncset.done $0x0  }
0x6f: {  	s9 =	rddreg [dreg:$0x5];
	[sflag:s31] =	ssyncadd.s32 $0xFFFFA000  }
0x70: {  	[hbm4b:s9+s1] =	stream.linear.scatter [tilespmem:s8], [sflag:$0x3], $0x6000, $0x38;
	[tilespmem:$0xC100] =	vst v63  }
0x71: {  	_ =	swait.ge [sflag:s0], $0x6000  }
0x72: {  	[sflag:s0] =	ssyncset.done $0x0  }
0x73: {  	s10 =	rddreg [dreg:$0x6];
	[sflag:s0] =	ssyncadd.s32 $0xFFFFA000  }
0x74: {  	[hbm4b:s10+s1] =	stream.linear.scatter [tilespmem:s18], [sflag:$0x4], $0x6000, $0x38;
	[tilespmem:$0xC100] =	vst v63  }
0x75: {  	p0 =	sne.s32 s6, $0x1;
	_ =	swait.ge [sflag:s31], $0x6000  }
.Ltmp0:
0x76: {  	[sflag:s31] =	ssyncset.done $0x0;
	(pc) =	sbr.rel @p0 .LBB2_1-.Ltmp0, $4  }
0x77: {  	[sflag:s31] =	ssyncadd.s32 $0xFFFFA000  }
0x78: {  	_ =	swait.ge [sflag:s0], $0x6000  }
0x79: {  	[sflag:s0] =	ssyncset.done $0x0  }
0x7a: {  	s6 =	sadd.s32 $0xFFFFFFFF, s6;
	[sflag:s0] =	ssyncadd.s32 $0xFFFFA000  }
0x7b: {  	_ =	sfence.sel $0x180000  }
0x7c: {  	[bflag:$0x0] =	sbarrier.arrive $0xFFFF  }
0x7d: {  	_ =	strace $0x9000004A  }
0x7e: {  	s0 =	stileid.u32;
	[bflag:$0x2] =	sbarrier.arrive $0xFFFF  }
0x7f: {  	p0 =	sne.s32 s0, $0x0;
	s0 =	rddreg [dreg:$0x2]  }
0x80: {  	s0 =	sadd.s32 @!p0 $0x100000, s0  }
0x81: {  	[sflag:s0] =	ssyncadd.tile.s32 @!p0 $0x1;
	_ =	shalt  }
.Lfunc_end2:
_tile_overlayer_lowered:
.L_overlay_start_2:
0x82: {  	(tag) =	ssettag $0x2  }
0x83: {  	s0 =	rddreg [dreg:$0x0];
	s2 =	stileid.u32  }
0x84: {  	s1 =	rddreg [dreg:$0x1];
	p0 =	sne.s32 s2, $0x0  }
0x85: {  	s3 =	rddreg [dreg:$0x2];
	[bflag:$0x3] =	sbarrier.arrive $0xFFFF;
	s2 =	simm.s32 @!p0 $0x1C05  }
0x86: {  	[timem:s3], [sflag:s2] =	dma.local @!p0 [hbm:s0], s1  }
0x87: {  	s0 =	simm.s32 @!p0 $0x5  }
0x88: {  	_ =	swait.ge @!p0 [sflag:s0], s1  }
0x89: {  	s1 =	ssub.s32 @!p0 $0x0, s1;
	[sflag:s0] =	ssyncset.done @!p0 $0x0  }
0x8a: {  	[sflag:s0] =	ssyncadd.s32 @!p0 s1  }
0x8b: {  	[bflag:$0x3] =	sbarrier.arrive $0xFFFF  }
0x8c: {  	_ =	shalt  }

</sc_bundles>
